<compile_context>
chip_gen: v7x
topology: tpu7x:2x2x1
jax: 0.10.2.dev20260603
libtpu: 0.0.44.dev20260713+nightly
codegen_flags: <defaults>
</compile_context>

<pallas_src>
import functools

import jax
import jax.numpy as jnp
from jax import lax
from jax.experimental import pallas as pl
from jax.experimental.pallas import tpu as pltpu
from jax.experimental.pallas import tpu_sc as plsc

EMBED = 64
SCALE = 8.0
NC, NS, L = 2, 16, 16
NW = NC * NS
CHUNK = 320
NBUF = 2
RU = 8


@functools.lru_cache(maxsize=None)
def _build(B: int):
    b_per_w = B // NW
    nchunks = b_per_w // CHUNK
    rounds = nchunks // NBUF
    mesh = plsc.VectorSubcoreMesh(core_axis_name="c", subcore_axis_name="s")

    @functools.partial(
        pl.kernel,
        mesh=mesh,
        out_type=jax.ShapeDtypeStruct((B, EMBED), jnp.float32),
        scratch_types=[
            pltpu.VMEM((b_per_w,), jnp.int32),
            [pltpu.VMEM((CHUNK, EMBED), jnp.float32) for _ in range(NBUF)],
            [pltpu.VMEM((CHUNK, EMBED), jnp.float32) for _ in range(NBUF)],
            [pltpu.SemaphoreType.DMA for _ in range(NBUF)],
            [pltpu.SemaphoreType.DMA for _ in range(NBUF)],
        ],
        compiler_params=pltpu.CompilerParams(use_tc_tiling_on_sc=False),
    )
    def emb(tok_hbm, table_hbm, out_hbm, idx_v, gbufs, sbufs, gsems, ssems):
        wid = lax.axis_index("s") * NC + lax.axis_index("c")
        base = wid * b_per_w
        pltpu.sync_copy(tok_hbm.at[pl.ds(base, b_per_w)], idx_v)

        for b in range(NBUF):
            pltpu.async_copy(
                table_hbm.at[idx_v.at[pl.ds(b * CHUNK, CHUNK)]],
                gbufs[b], gsems[b],
            )

        def round_body(g, carry):
            for b in range(NBUF):
                off = (g * NBUF + b) * CHUNK
                gbuf, sbuf = gbufs[b], sbufs[b]
                pltpu.make_async_copy(
                    table_hbm.at[idx_v.at[pl.ds(off, CHUNK)]], gbuf, gsems[b]
                ).wait()

                @pl.when(g > 0)
                def _():
                    pltpu.make_async_copy(
                        sbuf, out_hbm.at[pl.ds(base, CHUNK)], ssems[b]
                    ).wait()

                def mul_body(i, c2):
                    r0 = i * RU
                    for u in range(RU):
                        for j in range(EMBED // L):
                            sl = pl.ds(j * L, L)
                            sbuf[r0 + u, sl] = gbuf[r0 + u, sl] * SCALE
                    return c2

                lax.fori_loop(0, CHUNK // RU, mul_body, 0)

                @pl.when(g < rounds - 1)
                def _():
                    pltpu.async_copy(
                        table_hbm.at[
                            idx_v.at[pl.ds(off + NBUF * CHUNK, CHUNK)]
                        ],
                        gbuf, gsems[b],
                    )

                pltpu.async_copy(
                    sbuf, out_hbm.at[pl.ds(base + off, CHUNK)], ssems[b]
                )
            return carry

        lax.fori_loop(0, rounds, round_body, 0)

        for b in range(NBUF):
            pltpu.make_async_copy(
                sbufs[b], out_hbm.at[pl.ds(base, CHUNK)], ssems[b]
            ).wait()

    return emb


def kernel(tokens, embedding_weight):
    B = tokens.shape[0] * tokens.shape[1]
    flat = tokens.reshape(B).astype(jnp.int32)
    out = _build(B)(flat, embedding_weight)
    return out.reshape(tokens.shape + (EMBED,))

# --- scband reference (transcript-rebuilt; emitter-appended) ---
"""Pipeline reference for scband-token-embedding-68410239090734 (READ-ONLY COPY).

The authoritative reference and input builder live on the scoring server;
editing this copy changes nothing except your own understanding.
"""

import jax, jax.numpy as jnp
import numpy as np
import math

VOCAB_SIZE = 1000000
EMBED_SIZE = 64

def setup_inputs(seed: int = 0) -> dict:
    key = jax.random.key(seed)
    k_tok, k_emb = jax.random.split(key)
    tokens = jax.random.randint(k_tok, (4096, 200), 0, VOCAB_SIZE, dtype=jnp.int64 if jax.config.jax_enable_x64 else jnp.int32)
    # nn.Embedding default init: N(0, 1)
    embedding_weight = jax.random.normal(k_emb, (VOCAB_SIZE, EMBED_SIZE), dtype=jnp.float32)
    return {"tokens": tokens, "embedding_weight": embedding_weight}

def reference(tokens, embedding_weight):
    # TokenEmbedding.forward: embedding(tokens) * sqrt(embed_size)
    out = jnp.take(embedding_weight, tokens, axis=0)
    return out * math.sqrt(EMBED_SIZE)

if __name__ == "__main__":
    import jax
    _d = setup_inputs()
    print(jax.jit(kernel)(*tuple(_d.values())))

</pallas_src>

<mosaic_0001>
#map = affine_map<(d0, d1) -> (0)>
#map1 = affine_map<(d0, d1) -> (0, 0)>
module attributes {stable_mosaic.version = 14 : i64} {
  func.func @emb(%arg0: i32, %arg1: i32, %arg2: memref<819200xi32, #tpu.memory_space<hbm>>, %arg3: memref<1000000x64xf32, #tpu.memory_space<hbm>>, %arg4: memref<819200x64xf32, #tpu.memory_space<hbm>>, %arg5: memref<25600xi32, #tpu.memory_space<vmem>>, %arg6: memref<320x64xf32, #tpu.memory_space<vmem>>, %arg7: memref<320x64xf32, #tpu.memory_space<vmem>>, %arg8: memref<320x64xf32, #tpu.memory_space<vmem>>, %arg9: memref<320x64xf32, #tpu.memory_space<vmem>>, %arg10: memref<!tpu.dma_semaphore, #tpu.memory_space<semaphore_mem>>, %arg11: memref<!tpu.dma_semaphore, #tpu.memory_space<semaphore_mem>>, %arg12: memref<!tpu.dma_semaphore, #tpu.memory_space<semaphore_mem>>, %arg13: memref<!tpu.dma_semaphore, #tpu.memory_space<semaphore_mem>>) attributes {dimension_semantics = [#tpu.dimension_semantics<core_parallel>, #tpu.dimension_semantics<subcore_parallel>], iteration_bounds = array<i64: 2, 16>, scalar_prefetch = 0 : i64, scratch_operands = 9 : i64, tpu.core_type = #tpu.core_type<sc_vector_subcore>, window_params = [{transform_indices = #map}, {transform_indices = #map1}, {transform_indices = #map1}]} {
    %mul3A = arith.constant 2 : i32
    %mul3A_0 = arith.muli %arg1, %mul3A : i32
    %add3A = arith.addi %mul3A_0, %arg0 : i32
    %mul3A_1 = arith.constant 25600 : i32
    %mul3A_2 = arith.muli %add3A, %mul3A_1 : i32
    "tpu.region"() ({
      %run_scoped3A = tpu.sem_alloc : memref<!tpu.dma_semaphore, #tpu.memory_space<semaphore_mem>>
      %dma_start3A_24 = tpu.memref_slice %arg2[%mul3A_2] : memref<819200xi32, #tpu.memory_space<hbm>> -> memref<25600xi32, #tpu.memory_space<hbm>>
      %dma_start3A_25 = tpu.memref_slice %arg2[%mul3A_2] : memref<819200xi32, #tpu.memory_space<hbm>> -> memref<25600xi32, #tpu.memory_space<hbm>>
      tpu.enqueue_dma source(%dma_start3A_25 : memref<25600xi32, #tpu.memory_space<hbm>>) target(%arg5 : memref<25600xi32, #tpu.memory_space<vmem>>) target_semaphore(%run_scoped3A : memref<!tpu.dma_semaphore, #tpu.memory_space<semaphore_mem>>)
      %dma_wait3A_26 = tpu.memref_slice %arg2[%mul3A_2] : memref<819200xi32, #tpu.memory_space<hbm>> -> memref<25600xi32, #tpu.memory_space<hbm>>
      %dma_wait3A_27 = tpu.memref_slice %arg2[%mul3A_2] : memref<819200xi32, #tpu.memory_space<hbm>> -> memref<25600xi32, #tpu.memory_space<hbm>>
      tpu.wait_dma2 semaphore(%run_scoped3A : memref<!tpu.dma_semaphore, #tpu.memory_space<semaphore_mem>>) src(%dma_wait3A_27 : memref<25600xi32, #tpu.memory_space<hbm>>) dst(%arg5 : memref<25600xi32, #tpu.memory_space<vmem>>)
      tpu.yield
    }) : () -> ()
    %dma_start3A = arith.constant 0 : i32
    %dma_start3A_3 = tpu.memref_slice %arg5[%dma_start3A] : memref<25600xi32, #tpu.memory_space<vmem>> -> memref<320xi32, #tpu.memory_space<vmem>>
    %dma_start3A_4 = arith.constant 0 : i32
    %dma_start3A_5 = arith.constant 0 : i32
    %dma_start3A_6 = tpu.memref_slice %arg3[%dma_start3A_4, %dma_start3A_5] : memref<1000000x64xf32, #tpu.memory_space<hbm>> -> memref<1000000x64xf32, #tpu.memory_space<hbm>>
    tpu.enqueue_indirect_dma source(%dma_start3A_6 : memref<1000000x64xf32, #tpu.memory_space<hbm>>) target(%arg6 : memref<320x64xf32, #tpu.memory_space<vmem>>) offsets(%dma_start3A_3 : memref<320xi32, #tpu.memory_space<vmem>>) semaphore(%arg10 : memref<!tpu.dma_semaphore, #tpu.memory_space<semaphore_mem>>)
    %dma_start3A_7 = arith.constant 320 : i32
    %dma_start3A_8 = tpu.memref_slice %arg5[%dma_start3A_7] : memref<25600xi32, #tpu.memory_space<vmem>> -> memref<320xi32, #tpu.memory_space<vmem>>
    %dma_start3A_9 = arith.constant 0 : i32
    %dma_start3A_10 = arith.constant 0 : i32
    %dma_start3A_11 = tpu.memref_slice %arg3[%dma_start3A_9, %dma_start3A_10] : memref<1000000x64xf32, #tpu.memory_space<hbm>> -> memref<1000000x64xf32, #tpu.memory_space<hbm>>
    tpu.enqueue_indirect_dma source(%dma_start3A_11 : memref<1000000x64xf32, #tpu.memory_space<hbm>>) target(%arg7 : memref<320x64xf32, #tpu.memory_space<vmem>>) offsets(%dma_start3A_8 : memref<320xi32, #tpu.memory_space<vmem>>) semaphore(%arg11 : memref<!tpu.dma_semaphore, #tpu.memory_space<semaphore_mem>>)
    %scan3A = arith.constant 0 : i32
    %scan3A_12 = arith.constant 0 : i32
    %scan3A_13 = arith.constant 40 : i32
    %scan3A_14 = arith.addi %scan3A_12, %scan3A_13 : i32
    %scan3A_15 = arith.constant 1 : i32
    scf.for %scan3A_24 = %scan3A_12 to %scan3A_14 step %scan3A_15  : i32 {
      %mul3A_25 = arith.constant 2 : i32
      %mul3A_26 = arith.muli %scan3A_24, %mul3A_25 : i32
      %add3A_27 = arith.constant 0 : i32
      %add3A_28 = arith.addi %mul3A_26, %add3A_27 : i32
      %mul3A_29 = arith.constant 320 : i32
      %mul3A_30 = arith.muli %add3A_28, %mul3A_29 : i32
      %dma_wait3A_31 = tpu.memref_slice %arg5[%mul3A_30] : memref<25600xi32, #tpu.memory_space<vmem>> -> memref<320xi32, #tpu.memory_space<vmem>>
      %dma_wait3A_32 = arith.constant 0 : i32
      %dma_wait3A_33 = arith.constant 0 : i32
      %dma_wait3A_34 = tpu.memref_slice %arg3[%dma_wait3A_32, %dma_wait3A_33] : memref<1000000x64xf32, #tpu.memory_space<hbm>> -> memref<1000000x64xf32, #tpu.memory_space<hbm>>
      tpu.wait_indirect_dma semaphore(%arg10 : memref<!tpu.dma_semaphore, #tpu.memory_space<semaphore_mem>>) src(%dma_wait3A_34 : memref<1000000x64xf32, #tpu.memory_space<hbm>>) dst(%arg6 : memref<320x64xf32, #tpu.memory_space<vmem>>)
      %gt3A = arith.constant 0 : i32
      %gt3A_35 = arith.cmpi sgt, %scan3A_24, %gt3A : i32
      %convert_element_type3A = arith.extui %gt3A_35 : i1 to i32
      %cond3A = arith.constant 0 : i32
      %cond3A_36 = arith.cmpi ne, %convert_element_type3A, %cond3A : i32
      scf.if %cond3A_36 {
        %dma_wait3A_83 = arith.constant 0 : i32
        %dma_wait3A_84 = tpu.memref_slice %arg4[%mul3A_2, %dma_wait3A_83] : memref<819200x64xf32, #tpu.memory_space<hbm>> -> memref<320x64xf32, #tpu.memory_space<hbm>>
        %dma_wait3A_85 = arith.constant 0 : i32
        %dma_wait3A_86 = tpu.memref_slice %arg4[%mul3A_2, %dma_wait3A_85] : memref<819200x64xf32, #tpu.memory_space<hbm>> -> memref<320x64xf32, #tpu.memory_space<hbm>>
        tpu.wait_dma2 semaphore(%arg12 : memref<!tpu.dma_semaphore, #tpu.memory_space<semaphore_mem>>) src(%arg8 : memref<320x64xf32, #tpu.memory_space<vmem>>) dst(%dma_wait3A_86 : memref<320x64xf32, #tpu.memory_space<hbm>>)
      } else {
      }
      %scan3A_37 = arith.constant 0 : i32
      %scan3A_38 = arith.constant 0 : i32
      %scan3A_39 = arith.constant 40 : i32
      %scan3A_40 = arith.addi %scan3A_38, %scan3A_39 : i32
      %scan3A_41 = arith.constant 1 : i32
      scf.for %scan3A_83 = %scan3A_38 to %scan3A_40 step %scan3A_41  : i32 {
        %mul3A_84 = arith.constant 8 : i32
        %mul3A_85 = arith.muli %scan3A_83, %mul3A_84 : i32
        %add3A_86 = arith.constant 0 : i32
        %add3A_87 = arith.addi %mul3A_85, %add3A_86 : i32
        %get3A = arith.index_cast %add3A_87 : i32 to index
        %get3A_88 = arith.constant 0 : index
        %get3A_89 = tpu.vector_load %arg6[%get3A, %get3A_88] {strides = array<i32>} : memref<320x64xf32, #tpu.memory_space<vmem>>, vector<1x16xf32>,
        %get3A_90 = vector.shape_cast %get3A_89 : vector<1x16xf32> to vector<16xf32>
        %mul3A_91 = arith.constant 8.000000e+00 : f32
        %mul3A_92 = vector.broadcast %mul3A_91 : f32 to vector<16xf32>
        %mul3A_93 = arith.mulf %get3A_90, %mul3A_92 : vector<16xf32>
        %add3A_94 = arith.constant 0 : i32
        %add3A_95 = arith.addi %mul3A_85, %add3A_94 : i32
        %swap3A = arith.index_cast %add3A_95 : i32 to index
        %swap3A_96 = arith.constant 0 : index
        %swap3A_97 = tpu.vector_load %arg8[%swap3A, %swap3A_96] {strides = array<i32>} : memref<320x64xf32, #tpu.memory_space<vmem>>, vector<1x16xf32>,
        %swap3A_98 = vector.shape_cast %swap3A_97 : vector<1x16xf32> to vector<16xf32>
        %swap3A_99 = vector.shape_cast %mul3A_93 : vector<16xf32> to vector<1x16xf32>
        tpu.vector_store %arg8[%swap3A, %swap3A_96], %swap3A_99 {strides = array<i32>} : memref<320x64xf32, #tpu.memory_space<vmem>>, vector<1x16xf32>,
        %add3A_100 = arith.constant 0 : i32
        %add3A_101 = arith.addi %mul3A_85, %add3A_100 : i32
        %get3A_102 = arith.index_cast %add3A_101 : i32 to index
        %get3A_103 = arith.constant 16 : index
        %get3A_104 = tpu.vector_load %arg6[%get3A_102, %get3A_103] {strides = array<i32>} : memref<320x64xf32, #tpu.memory_space<vmem>>, vector<1x16xf32>,
        %get3A_105 = vector.shape_cast %get3A_104 : vector<1x16xf32> to vector<16xf32>
        %mul3A_106 = arith.constant 8.000000e+00 : f32
        %mul3A_107 = vector.broadcast %mul3A_106 : f32 to vector<16xf32>
        %mul3A_108 = arith.mulf %get3A_105, %mul3A_107 : vector<16xf32>
        %add3A_109 = arith.constant 0 : i32
        %add3A_110 = arith.addi %mul3A_85, %add3A_109 : i32
        %swap3A_111 = arith.index_cast %add3A_110 : i32 to index
        %swap3A_112 = arith.constant 16 : index
        %swap3A_113 = tpu.vector_load %arg8[%swap3A_111, %swap3A_112] {strides = array<i32>} : memref<320x64xf32, #tpu.memory_space<vmem>>, vector<1x16xf32>,
        %swap3A_114 = vector.shape_cast %swap3A_113 : vector<1x16xf32> to vector<16xf32>
        %swap3A_115 = vector.shape_cast %mul3A_108 : vector<16xf32> to vector<1x16xf32>
        tpu.vector_store %arg8[%swap3A_111, %swap3A_112], %swap3A_115 {strides = array<i32>} : memref<320x64xf32, #tpu.memory_space<vmem>>, vector<1x16xf32>,
        %add3A_116 = arith.constant 0 : i32
        %add3A_117 = arith.addi %mul3A_85, %add3A_116 : i32
        %get3A_118 = arith.index_cast %add3A_117 : i32 to index
        %get3A_119 = arith.constant 32 : index
        %get3A_120 = tpu.vector_load %arg6[%get3A_118, %get3A_119] {strides = array<i32>} : memref<320x64xf32, #tpu.memory_space<vmem>>, vector<1x16xf32>,
        %get3A_121 = vector.shape_cast %get3A_120 : vector<1x16xf32> to vector<16xf32>
        %mul3A_122 = arith.constant 8.000000e+00 : f32
        %mul3A_123 = vector.broadcast %mul3A_122 : f32 to vector<16xf32>
        %mul3A_124 = arith.mulf %get3A_121, %mul3A_123 : vector<16xf32>
        %add3A_125 = arith.constant 0 : i32
        %add3A_126 = arith.addi %mul3A_85, %add3A_125 : i32
        %swap3A_127 = arith.index_cast %add3A_126 : i32 to index
        %swap3A_128 = arith.constant 32 : index
        %swap3A_129 = tpu.vector_load %arg8[%swap3A_127, %swap3A_128] {strides = array<i32>} : memref<320x64xf32, #tpu.memory_space<vmem>>, vector<1x16xf32>,
        %swap3A_130 = vector.shape_cast %swap3A_129 : vector<1x16xf32> to vector<16xf32>
        %swap3A_131 = vector.shape_cast %mul3A_124 : vector<16xf32> to vector<1x16xf32>
        tpu.vector_store %arg8[%swap3A_127, %swap3A_128], %swap3A_131 {strides = array<i32>} : memref<320x64xf32, #tpu.memory_space<vmem>>, vector<1x16xf32>,
        %add3A_132 = arith.constant 0 : i32
        %add3A_133 = arith.addi %mul3A_85, %add3A_132 : i32
        %get3A_134 = arith.index_cast %add3A_133 : i32 to index
        %get3A_135 = arith.constant 48 : index
        %get3A_136 = tpu.vector_load %arg6[%get3A_134, %get3A_135] {strides = array<i32>} : memref<320x64xf32, #tpu.memory_space<vmem>>, vector<1x16xf32>,
        %get3A_137 = vector.shape_cast %get3A_136 : vector<1x16xf32> to vector<16xf32>
        %mul3A_138 = arith.constant 8.000000e+00 : f32
        %mul3A_139 = vector.broadcast %mul3A_138 : f32 to vector<16xf32>
        %mul3A_140 = arith.mulf %get3A_137, %mul3A_139 : vector<16xf32>
        %add3A_141 = arith.constant 0 : i32
        %add3A_142 = arith.addi %mul3A_85, %add3A_141 : i32
        %swap3A_143 = arith.index_cast %add3A_142 : i32 to index
        %swap3A_144 = arith.constant 48 : index
        %swap3A_145 = tpu.vector_load %arg8[%swap3A_143, %swap3A_144] {strides = array<i32>} : memref<320x64xf32, #tpu.memory_space<vmem>>, vector<1x16xf32>,
        %swap3A_146 = vector.shape_cast %swap3A_145 : vector<1x16xf32> to vector<16xf32>
        %swap3A_147 = vector.shape_cast %mul3A_140 : vector<16xf32> to vector<1x16xf32>
        tpu.vector_store %arg8[%swap3A_143, %swap3A_144], %swap3A_147 {strides = array<i32>} : memref<320x64xf32, #tpu.memory_space<vmem>>, vector<1x16xf32>,
        %add3A_148 = arith.constant 1 : i32
        %add3A_149 = arith.addi %mul3A_85, %add3A_148 : i32
        %get3A_150 = arith.index_cast %add3A_149 : i32 to index
        %get3A_151 = arith.constant 0 : index
        %get3A_152 = tpu.vector_load %arg6[%get3A_150, %get3A_151] {strides = array<i32>} : memref<320x64xf32, #tpu.memory_space<vmem>>, vector<1x16xf32>,
        %get3A_153 = vector.shape_cast %get3A_152 : vector<1x16xf32> to vector<16xf32>
        %mul3A_154 = arith.constant 8.000000e+00 : f32
        %mul3A_155 = vector.broadcast %mul3A_154 : f32 to vector<16xf32>
        %mul3A_156 = arith.mulf %get3A_153, %mul3A_155 : vector<16xf32>
        %add3A_157 = arith.constant 1 : i32
        %add3A_158 = arith.addi %mul3A_85, %add3A_157 : i32
        %swap3A_159 = arith.index_cast %add3A_158 : i32 to index
        %swap3A_160 = arith.constant 0 : index
        %swap3A_161 = tpu.vector_load %arg8[%swap3A_159, %swap3A_160] {strides = array<i32>} : memref<320x64xf32, #tpu.memory_space<vmem>>, vector<1x16xf32>,
        %swap3A_162 = vector.shape_cast %swap3A_161 : vector<1x16xf32> to vector<16xf32>
        %swap3A_163 = vector.shape_cast %mul3A_156 : vector<16xf32> to vector<1x16xf32>
        tpu.vector_store %arg8[%swap3A_159, %swap3A_160], %swap3A_163 {strides = array<i32>} : memref<320x64xf32, #tpu.memory_space<vmem>>, vector<1x16xf32>,
        %add3A_164 = arith.constant 1 : i32
        %add3A_165 = arith.addi %mul3A_85, %add3A_164 : i32
        %get3A_166 = arith.index_cast %add3A_165 : i32 to index
        %get3A_167 = arith.constant 16 : index
        %get3A_168 = tpu.vector_load %arg6[%get3A_166, %get3A_167] {strides = array<i32>} : memref<320x64xf32, #tpu.memory_space<vmem>>, vector<1x16xf32>,
        %get3A_169 = vector.shape_cast %get3A_168 : vector<1x16xf32> to vector<16xf32>
        %mul3A_170 = arith.constant 8.000000e+00 : f32
        %mul3A_171 = vector.broadcast %mul3A_170 : f32 to vector<16xf32>
        %mul3A_172 = arith.mulf %get3A_169, %mul3A_171 : vector<16xf32>
        %add3A_173 = arith.constant 1 : i32
        %add3A_174 = arith.addi %mul3A_85, %add3A_173 : i32
        %swap3A_175 = arith.index_cast %add3A_174 : i32 to index
        %swap3A_176 = arith.constant 16 : index
        %swap3A_177 = tpu.vector_load %arg8[%swap3A_175, %swap3A_176] {strides = array<i32>} : memref<320x64xf32, #tpu.memory_space<vmem>>, vector<1x16xf32>,
        %swap3A_178 = vector.shape_cast %swap3A_177 : vector<1x16xf32> to vector<16xf32>
        %swap3A_179 = vector.shape_cast %mul3A_172 : vector<16xf32> to vector<1x16xf32>
        tpu.vector_store %arg8[%swap3A_175, %swap3A_176], %swap3A_179 {strides = array<i32>} : memref<320x64xf32, #tpu.memory_space<vmem>>, vector<1x16xf32>,
        %add3A_180 = arith.constant 1 : i32
        %add3A_181 = arith.addi %mul3A_85, %add3A_180 : i32
        %get3A_182 = arith.index_cast %add3A_181 : i32 to index
        %get3A_183 = arith.constant 32 : index
        %get3A_184 = tpu.vector_load %arg6[%get3A_182, %get3A_183] {strides = array<i32>} : memref<320x64xf32, #tpu.memory_space<vmem>>, vector<1x16xf32>,
        %get3A_185 = vector.shape_cast %get3A_184 : vector<1x16xf32> to vector<16xf32>
        %mul3A_186 = arith.constant 8.000000e+00 : f32
        %mul3A_187 = vector.broadcast %mul3A_186 : f32 to vector<16xf32>
        %mul3A_188 = arith.mulf %get3A_185, %mul3A_187 : vector<16xf32>
        %add3A_189 = arith.constant 1 : i32
        %add3A_190 = arith.addi %mul3A_85, %add3A_189 : i32
        %swap3A_191 = arith.index_cast %add3A_190 : i32 to index
        %swap3A_192 = arith.constant 32 : index
        %swap3A_193 = tpu.vector_load %arg8[%swap3A_191, %swap3A_192] {strides = array<i32>} : memref<320x64xf32, #tpu.memory_space<vmem>>, vector<1x16xf32>,
        %swap3A_194 = vector.shape_cast %swap3A_193 : vector<1x16xf32> to vector<16xf32>
        %swap3A_195 = vector.shape_cast %mul3A_188 : vector<16xf32> to vector<1x16xf32>
        tpu.vector_store %arg8[%swap3A_191, %swap3A_192], %swap3A_195 {strides = array<i32>} : memref<320x64xf32, #tpu.memory_space<vmem>>, vector<1x16xf32>,
        %add3A_196 = arith.constant 1 : i32
        %add3A_197 = arith.addi %mul3A_85, %add3A_196 : i32
        %get3A_198 = arith.index_cast %add3A_197 : i32 to index
        %get3A_199 = arith.constant 48 : index
        %get3A_200 = tpu.vector_load %arg6[%get3A_198, %get3A_199] {strides = array<i32>} : memref<320x64xf32, #tpu.memory_space<vmem>>, vector<1x16xf32>,
        %get3A_201 = vector.shape_cast %get3A_200 : vector<1x16xf32> to vector<16xf32>
        %mul3A_202 = arith.constant 8.000000e+00 : f32
        %mul3A_203 = vector.broadcast %mul3A_202 : f32 to vector<16xf32>
        %mul3A_204 = arith.mulf %get3A_201, %mul3A_203 : vector<16xf32>
        %add3A_205 = arith.constant 1 : i32
        %add3A_206 = arith.addi %mul3A_85, %add3A_205 : i32
        %swap3A_207 = arith.index_cast %add3A_206 : i32 to index
        %swap3A_208 = arith.constant 48 : index
        %swap3A_209 = tpu.vector_load %arg8[%swap3A_207, %swap3A_208] {strides = array<i32>} : memref<320x64xf32, #tpu.memory_space<vmem>>, vector<1x16xf32>,
        %swap3A_210 = vector.shape_cast %swap3A_209 : vector<1x16xf32> to vector<16xf32>
        %swap3A_211 = vector.shape_cast %mul3A_204 : vector<16xf32> to vector<1x16xf32>
        tpu.vector_store %arg8[%swap3A_207, %swap3A_208], %swap3A_211 {strides = array<i32>} : memref<320x64xf32, #tpu.memory_space<vmem>>, vector<1x16xf32>,
        %add3A_212 = arith.constant 2 : i32
        %add3A_213 = arith.addi %mul3A_85, %add3A_212 : i32
        %get3A_214 = arith.index_cast %add3A_213 : i32 to index
        %get3A_215 = arith.constant 0 : index
        %get3A_216 = tpu.vector_load %arg6[%get3A_214, %get3A_215] {strides = array<i32>} : memref<320x64xf32, #tpu.memory_space<vmem>>, vector<1x16xf32>,
        %get3A_217 = vector.shape_cast %get3A_216 : vector<1x16xf32> to vector<16xf32>
        %mul3A_218 = arith.constant 8.000000e+00 : f32
        %mul3A_219 = vector.broadcast %mul3A_218 : f32 to vector<16xf32>
        %mul3A_220 = arith.mulf %get3A_217, %mul3A_219 : vector<16xf32>
        %add3A_221 = arith.constant 2 : i32
        %add3A_222 = arith.addi %mul3A_85, %add3A_221 : i32
        %swap3A_223 = arith.index_cast %add3A_222 : i32 to index
        %swap3A_224 = arith.constant 0 : index
        %swap3A_225 = tpu.vector_load %arg8[%swap3A_223, %swap3A_224] {strides = array<i32>} : memref<320x64xf32, #tpu.memory_space<vmem>>, vector<1x16xf32>,
        %swap3A_226 = vector.shape_cast %swap3A_225 : vector<1x16xf32> to vector<16xf32>
        %swap3A_227 = vector.shape_cast %mul3A_220 : vector<16xf32> to vector<1x16xf32>
        tpu.vector_store %arg8[%swap3A_223, %swap3A_224], %swap3A_227 {strides = array<i32>} : memref<320x64xf32, #tpu.memory_space<vmem>>, vector<1x16xf32>,
        %add3A_228 = arith.constant 2 : i32
        %add3A_229 = arith.addi %mul3A_85, %add3A_228 : i32
        %get3A_230 = arith.index_cast %add3A_229 : i32 to index
        %get3A_231 = arith.constant 16 : index
        %get3A_232 = tpu.vector_load %arg6[%get3A_230, %get3A_231] {strides = array<i32>} : memref<320x64xf32, #tpu.memory_space<vmem>>, vector<1x16xf32>,
        %get3A_233 = vector.shape_cast %get3A_232 : vector<1x16xf32> to vector<16xf32>
        %mul3A_234 = arith.constant 8.000000e+00 : f32
        %mul3A_235 = vector.broadcast %mul3A_234 : f32 to vector<16xf32>
        %mul3A_236 = arith.mulf %get3A_233, %mul3A_235 : vector<16xf32>
        %add3A_237 = arith.constant 2 : i32
        %add3A_238 = arith.addi %mul3A_85, %add3A_237 : i32
        %swap3A_239 = arith.index_cast %add3A_238 : i32 to index
        %swap3A_240 = arith.constant 16 : index
        %swap3A_241 = tpu.vector_load %arg8[%swap3A_239, %swap3A_240] {strides = array<i32>} : memref<320x64xf32, #tpu.memory_space<vmem>>, vector<1x16xf32>,
        %swap3A_242 = vector.shape_cast %swap3A_241 : vector<1x16xf32> to vector<16xf32>
        %swap3A_243 = vector.shape_cast %mul3A_236 : vector<16xf32> to vector<1x16xf32>
        tpu.vector_store %arg8[%swap3A_239, %swap3A_240], %swap3A_243 {strides = array<i32>} : memref<320x64xf32, #tpu.memory_space<vmem>>, vector<1x16xf32>,
        %add3A_244 = arith.constant 2 : i32
        %add3A_245 = arith.addi %mul3A_85, %add3A_244 : i32
        %get3A_246 = arith.index_cast %add3A_245 : i32 to index
        %get3A_247 = arith.constant 32 : index
        %get3A_248 = tpu.vector_load %arg6[%get3A_246, %get3A_247] {strides = array<i32>} : memref<320x64xf32, #tpu.memory_space<vmem>>, vector<1x16xf32>,
        %get3A_249 = vector.shape_cast %get3A_248 : vector<1x16xf32> to vector<16xf32>
        %mul3A_250 = arith.constant 8.000000e+00 : f32
        %mul3A_251 = vector.broadcast %mul3A_250 : f32 to vector<16xf32>
        %mul3A_252 = arith.mulf %get3A_249, %mul3A_251 : vector<16xf32>
        %add3A_253 = arith.constant 2 : i32
        %add3A_254 = arith.addi %mul3A_85, %add3A_253 : i32
        %swap3A_255 = arith.index_cast %add3A_254 : i32 to index
        %swap3A_256 = arith.constant 32 : index
        %swap3A_257 = tpu.vector_load %arg8[%swap3A_255, %swap3A_256] {strides = array<i32>} : memref<320x64xf32, #tpu.memory_space<vmem>>, vector<1x16xf32>,
        %swap3A_258 = vector.shape_cast %swap3A_257 : vector<1x16xf32> to vector<16xf32>
        %swap3A_259 = vector.shape_cast %mul3A_252 : vector<16xf32> to vector<1x16xf32>
        tpu.vector_store %arg8[%swap3A_255, %swap3A_256], %swap3A_259 {strides = array<i32>} : memref<320x64xf32, #tpu.memory_space<vmem>>, vector<1x16xf32>,
        %add3A_260 = arith.constant 2 : i32
        %add3A_261 = arith.addi %mul3A_85, %add3A_260 : i32
        %get3A_262 = arith.index_cast %add3A_261 : i32 to index
        %get3A_263 = arith.constant 48 : index
        %get3A_264 = tpu.vector_load %arg6[%get3A_262, %get3A_263] {strides = array<i32>} : memref<320x64xf32, #tpu.memory_space<vmem>>, vector<1x16xf32>,
        %get3A_265 = vector.shape_cast %get3A_264 : vector<1x16xf32> to vector<16xf32>
        %mul3A_266 = arith.constant 8.000000e+00 : f32
        %mul3A_267 = vector.broadcast %mul3A_266 : f32 to vector<16xf32>
        %mul3A_268 = arith.mulf %get3A_265, %mul3A_267 : vector<16xf32>
        %add3A_269 = arith.constant 2 : i32
        %add3A_270 = arith.addi %mul3A_85, %add3A_269 : i32
        %swap3A_271 = arith.index_cast %add3A_270 : i32 to index
        %swap3A_272 = arith.constant 48 : index
        %swap3A_273 = tpu.vector_load %arg8[%swap3A_271, %swap3A_272] {strides = array<i32>} : memref<320x64xf32, #tpu.memory_space<vmem>>, vector<1x16xf32>,
        %swap3A_274 = vector.shape_cast %swap3A_273 : vector<1x16xf32> to vector<16xf32>
        %swap3A_275 = vector.shape_cast %mul3A_268 : vector<16xf32> to vector<1x16xf32>
        tpu.vector_store %arg8[%swap3A_271, %swap3A_272], %swap3A_275 {strides = array<i32>} : memref<320x64xf32, #tpu.memory_space<vmem>>, vector<1x16xf32>,
        %add3A_276 = arith.constant 3 : i32
        %add3A_277 = arith.addi %mul3A_85, %add3A_276 : i32
        %get3A_278 = arith.index_cast %add3A_277 : i32 to index
        %get3A_279 = arith.constant 0 : index
        %get3A_280 = tpu.vector_load %arg6[%get3A_278, %get3A_279] {strides = array<i32>} : memref<320x64xf32, #tpu.memory_space<vmem>>, vector<1x16xf32>,
        %get3A_281 = vector.shape_cast %get3A_280 : vector<1x16xf32> to vector<16xf32>
        %mul3A_282 = arith.constant 8.000000e+00 : f32
        %mul3A_283 = vector.broadcast %mul3A_282 : f32 to vector<16xf32>
        %mul3A_284 = arith.mulf %get3A_281, %mul3A_283 : vector<16xf32>
        %add3A_285 = arith.constant 3 : i32
        %add3A_286 = arith.addi %mul3A_85, %add3A_285 : i32
        %swap3A_287 = arith.index_cast %add3A_286 : i32 to index
        %swap3A_288 = arith.constant 0 : index
        %swap3A_289 = tpu.vector_load %arg8[%swap3A_287, %swap3A_288] {strides = array<i32>} : memref<320x64xf32, #tpu.memory_space<vmem>>, vector<1x16xf32>,
        %swap3A_290 = vector.shape_cast %swap3A_289 : vector<1x16xf32> to vector<16xf32>
        %swap3A_291 = vector.shape_cast %mul3A_284 : vector<16xf32> to vector<1x16xf32>
        tpu.vector_store %arg8[%swap3A_287, %swap3A_288], %swap3A_291 {strides = array<i32>} : memref<320x64xf32, #tpu.memory_space<vmem>>, vector<1x16xf32>,
        %add3A_292 = arith.constant 3 : i32
        %add3A_293 = arith.addi %mul3A_85, %add3A_292 : i32
        %get3A_294 = arith.index_cast %add3A_293 : i32 to index
        %get3A_295 = arith.constant 16 : index
        %get3A_296 = tpu.vector_load %arg6[%get3A_294, %get3A_295] {strides = array<i32>} : memref<320x64xf32, #tpu.memory_space<vmem>>, vector<1x16xf32>,
        %get3A_297 = vector.shape_cast %get3A_296 : vector<1x16xf32> to vector<16xf32>
        %mul3A_298 = arith.constant 8.000000e+00 : f32
        %mul3A_299 = vector.broadcast %mul3A_298 : f32 to vector<16xf32>
        %mul3A_300 = arith.mulf %get3A_297, %mul3A_299 : vector<16xf32>
        %add3A_301 = arith.constant 3 : i32
        %add3A_302 = arith.addi %mul3A_85, %add3A_301 : i32
        %swap3A_303 = arith.index_cast %add3A_302 : i32 to index
        %swap3A_304 = arith.constant 16 : index
        %swap3A_305 = tpu.vector_load %arg8[%swap3A_303, %swap3A_304] {strides = array<i32>} : memref<320x64xf32, #tpu.memory_space<vmem>>, vector<1x16xf32>,
        %swap3A_306 = vector.shape_cast %swap3A_305 : vector<1x16xf32> to vector<16xf32>
        %swap3A_307 = vector.shape_cast %mul3A_300 : vector<16xf32> to vector<1x16xf32>
        tpu.vector_store %arg8[%swap3A_303, %swap3A_304], %swap3A_307 {strides = array<i32>} : memref<320x64xf32, #tpu.memory_space<vmem>>, vector<1x16xf32>,
        %add3A_308 = arith.constant 3 : i32
        %add3A_309 = arith.addi %mul3A_85, %add3A_308 : i32
        %get3A_310 = arith.index_cast %add3A_309 : i32 to index
        %get3A_311 = arith.constant 32 : index
        %get3A_312 = tpu.vector_load %arg6[%get3A_310, %get3A_311] {strides = array<i32>} : memref<320x64xf32, #tpu.memory_space<vmem>>, vector<1x16xf32>,
        %get3A_313 = vector.shape_cast %get3A_312 : vector<1x16xf32> to vector<16xf32>
        %mul3A_314 = arith.constant 8.000000e+00 : f32
        %mul3A_315 = vector.broadcast %mul3A_314 : f32 to vector<16xf32>
        %mul3A_316 = arith.mulf %get3A_313, %mul3A_315 : vector<16xf32>
        %add3A_317 = arith.constant 3 : i32
        %add3A_318 = arith.addi %mul3A_85, %add3A_317 : i32
        %swap3A_319 = arith.index_cast %add3A_318 : i32 to index
        %swap3A_320 = arith.constant 32 : index
        %swap3A_321 = tpu.vector_load %arg8[%swap3A_319, %swap3A_320] {strides = array<i32>} : memref<320x64xf32, #tpu.memory_space<vmem>>, vector<1x16xf32>,
        %swap3A_322 = vector.shape_cast %swap3A_321 : vector<1x16xf32> to vector<16xf32>
        %swap3A_323 = vector.shape_cast %mul3A_316 : vector<16xf32> to vector<1x16xf32>
        tpu.vector_store %arg8[%swap3A_319, %swap3A_320], %swap3A_323 {strides = array<i32>} : memref<320x64xf32, #tpu.memory_space<vmem>>, vector<1x16xf32>,
        %add3A_324 = arith.constant 3 : i32
        %add3A_325 = arith.addi %mul3A_85, %add3A_324 : i32
        %get3A_326 = arith.index_cast %add3A_325 : i32 to index
        %get3A_327 = arith.constant 48 : index
        %get3A_328 = tpu.vector_load %arg6[%get3A_326, %get3A_327] {strides = array<i32>} : memref<320x64xf32, #tpu.memory_space<vmem>>, vector<1x16xf32>,
        %get3A_329 = vector.shape_cast %get3A_328 : vector<1x16xf32> to vector<16xf32>
        %mul3A_330 = arith.constant 8.000000e+00 : f32
        %mul3A_331 = vector.broadcast %mul3A_330 : f32 to vector<16xf32>
        %mul3A_332 = arith.mulf %get3A_329, %mul3A_331 : vector<16xf32>
        %add3A_333 = arith.constant 3 : i32
        %add3A_334 = arith.addi %mul3A_85, %add3A_333 : i32
        %swap3A_335 = arith.index_cast %add3A_334 : i32 to index
        %swap3A_336 = arith.constant 48 : index
        %swap3A_337 = tpu.vector_load %arg8[%swap3A_335, %swap3A_336] {strides = array<i32>} : memref<320x64xf32, #tpu.memory_space<vmem>>, vector<1x16xf32>,
        %swap3A_338 = vector.shape_cast %swap3A_337 : vector<1x16xf32> to vector<16xf32>
        %swap3A_339 = vector.shape_cast %mul3A_332 : vector<16xf32> to vector<1x16xf32>
        tpu.vector_store %arg8[%swap3A_335, %swap3A_336], %swap3A_339 {strides = array<i32>} : memref<320x64xf32, #tpu.memory_space<vmem>>, vector<1x16xf32>,
        %add3A_340 = arith.constant 4 : i32
        %add3A_341 = arith.addi %mul3A_85, %add3A_340 : i32
        %get3A_342 = arith.index_cast %add3A_341 : i32 to index
        %get3A_343 = arith.constant 0 : index
        %get3A_344 = tpu.vector_load %arg6[%get3A_342, %get3A_343] {strides = array<i32>} : memref<320x64xf32, #tpu.memory_space<vmem>>, vector<1x16xf32>,
        %get3A_345 = vector.shape_cast %get3A_344 : vector<1x16xf32> to vector<16xf32>
        %mul3A_346 = arith.constant 8.000000e+00 : f32
        %mul3A_347 = vector.broadcast %mul3A_346 : f32 to vector<16xf32>
        %mul3A_348 = arith.mulf %get3A_345, %mul3A_347 : vector<16xf32>
        %add3A_349 = arith.constant 4 : i32
        %add3A_350 = arith.addi %mul3A_85, %add3A_349 : i32
        %swap3A_351 = arith.index_cast %add3A_350 : i32 to index
        %swap3A_352 = arith.constant 0 : index
        %swap3A_353 = tpu.vector_load %arg8[%swap3A_351, %swap3A_352] {strides = array<i32>} : memref<320x64xf32, #tpu.memory_space<vmem>>, vector<1x16xf32>,
        %swap3A_354 = vector.shape_cast %swap3A_353 : vector<1x16xf32> to vector<16xf32>
        %swap3A_355 = vector.shape_cast %mul3A_348 : vector<16xf32> to vector<1x16xf32>
        tpu.vector_store %arg8[%swap3A_351, %swap3A_352], %swap3A_355 {strides = array<i32>} : memref<320x64xf32, #tpu.memory_space<vmem>>, vector<1x16xf32>,
        %add3A_356 = arith.constant 4 : i32
        %add3A_357 = arith.addi %mul3A_85, %add3A_356 : i32
        %get3A_358 = arith.index_cast %add3A_357 : i32 to index
        %get3A_359 = arith.constant 16 : index
        %get3A_360 = tpu.vector_load %arg6[%get3A_358, %get3A_359] {strides = array<i32>} : memref<320x64xf32, #tpu.memory_space<vmem>>, vector<1x16xf32>,
        %get3A_361 = vector.shape_cast %get3A_360 : vector<1x16xf32> to vector<16xf32>
        %mul3A_362 = arith.constant 8.000000e+00 : f32
        %mul3A_363 = vector.broadcast %mul3A_362 : f32 to vector<16xf32>
        %mul3A_364 = arith.mulf %get3A_361, %mul3A_363 : vector<16xf32>
        %add3A_365 = arith.constant 4 : i32
        %add3A_366 = arith.addi %mul3A_85, %add3A_365 : i32
        %swap3A_367 = arith.index_cast %add3A_366 : i32 to index
        %swap3A_368 = arith.constant 16 : index
        %swap3A_369 = tpu.vector_load %arg8[%swap3A_367, %swap3A_368] {strides = array<i32>} : memref<320x64xf32, #tpu.memory_space<vmem>>, vector<1x16xf32>,
        %swap3A_370 = vector.shape_cast %swap3A_369 : vector<1x16xf32> to vector<16xf32>
        %swap3A_371 = vector.shape_cast %mul3A_364 : vector<16xf32> to vector<1x16xf32>
        tpu.vector_store %arg8[%swap3A_367, %swap3A_368], %swap3A_371 {strides = array<i32>} : memref<320x64xf32, #tpu.memory_space<vmem>>, vector<1x16xf32>,
        %add3A_372 = arith.constant 4 : i32
        %add3A_373 = arith.addi %mul3A_85, %add3A_372 : i32
        %get3A_374 = arith.index_cast %add3A_373 : i32 to index
        %get3A_375 = arith.constant 32 : index
        %get3A_376 = tpu.vector_load %arg6[%get3A_374, %get3A_375] {strides = array<i32>} : memref<320x64xf32, #tpu.memory_space<vmem>>, vector<1x16xf32>,
        %get3A_377 = vector.shape_cast %get3A_376 : vector<1x16xf32> to vector<16xf32>
        %mul3A_378 = arith.constant 8.000000e+00 : f32
        %mul3A_379 = vector.broadcast %mul3A_378 : f32 to vector<16xf32>
        %mul3A_380 = arith.mulf %get3A_377, %mul3A_379 : vector<16xf32>
        %add3A_381 = arith.constant 4 : i32
        %add3A_382 = arith.addi %mul3A_85, %add3A_381 : i32
        %swap3A_383 = arith.index_cast %add3A_382 : i32 to index
        %swap3A_384 = arith.constant 32 : index
        %swap3A_385 = tpu.vector_load %arg8[%swap3A_383, %swap3A_384] {strides = array<i32>} : memref<320x64xf32, #tpu.memory_space<vmem>>, vector<1x16xf32>,
        %swap3A_386 = vector.shape_cast %swap3A_385 : vector<1x16xf32> to vector<16xf32>
        %swap3A_387 = vector.shape_cast %mul3A_380 : vector<16xf32> to vector<1x16xf32>
        tpu.vector_store %arg8[%swap3A_383, %swap3A_384], %swap3A_387 {strides = array<i32>} : memref<320x64xf32, #tpu.memory_space<vmem>>, vector<1x16xf32>,
        %add3A_388 = arith.constant 4 : i32
        %add3A_389 = arith.addi %mul3A_85, %add3A_388 : i32
        %get3A_390 = arith.index_cast %add3A_389 : i32 to index
        %get3A_391 = arith.constant 48 : index
        %get3A_392 = tpu.vector_load %arg6[%get3A_390, %get3A_391] {strides = array<i32>} : memref<320x64xf32, #tpu.memory_space<vmem>>, vector<1x16xf32>,
        %get3A_393 = vector.shape_cast %get3A_392 : vector<1x16xf32> to vector<16xf32>
        %mul3A_394 = arith.constant 8.000000e+00 : f32
        %mul3A_395 = vector.broadcast %mul3A_394 : f32 to vector<16xf32>
        %mul3A_396 = arith.mulf %get3A_393, %mul3A_395 : vector<16xf32>
        %add3A_397 = arith.constant 4 : i32
        %add3A_398 = arith.addi %mul3A_85, %add3A_397 : i32
        %swap3A_399 = arith.index_cast %add3A_398 : i32 to index
        %swap3A_400 = arith.constant 48 : index
        %swap3A_401 = tpu.vector_load %arg8[%swap3A_399, %swap3A_400] {strides = array<i32>} : memref<320x64xf32, #tpu.memory_space<vmem>>, vector<1x16xf32>,
        %swap3A_402 = vector.shape_cast %swap3A_401 : vector<1x16xf32> to vector<16xf32>
        %swap3A_403 = vector.shape_cast %mul3A_396 : vector<16xf32> to vector<1x16xf32>
        tpu.vector_store %arg8[%swap3A_399, %swap3A_400], %swap3A_403 {strides = array<i32>} : memref<320x64xf32, #tpu.memory_space<vmem>>, vector<1x16xf32>,
        %add3A_404 = arith.constant 5 : i32
        %add3A_405 = arith.addi %mul3A_85, %add3A_404 : i32
        %get3A_406 = arith.index_cast %add3A_405 : i32 to index
        %get3A_407 = arith.constant 0 : index
        %get3A_408 = tpu.vector_load %arg6[%get3A_406, %get3A_407] {strides = array<i32>} : memref<320x64xf32, #tpu.memory_space<vmem>>, vector<1x16xf32>,
        %get3A_409 = vector.shape_cast %get3A_408 : vector<1x16xf32> to vector<16xf32>
        %mul3A_410 = arith.constant 8.000000e+00 : f32
        %mul3A_411 = vector.broadcast %mul3A_410 : f32 to vector<16xf32>
        %mul3A_412 = arith.mulf %get3A_409, %mul3A_411 : vector<16xf32>
        %add3A_413 = arith.constant 5 : i32
        %add3A_414 = arith.addi %mul3A_85, %add3A_413 : i32
        %swap3A_415 = arith.index_cast %add3A_414 : i32 to index
        %swap3A_416 = arith.constant 0 : index
        %swap3A_417 = tpu.vector_load %arg8[%swap3A_415, %swap3A_416] {strides = array<i32>} : memref<320x64xf32, #tpu.memory_space<vmem>>, vector<1x16xf32>,
        %swap3A_418 = vector.shape_cast %swap3A_417 : vector<1x16xf32> to vector<16xf32>
        %swap3A_419 = vector.shape_cast %mul3A_412 : vector<16xf32> to vector<1x16xf32>
        tpu.vector_store %arg8[%swap3A_415, %swap3A_416], %swap3A_419 {strides = array<i32>} : memref<320x64xf32, #tpu.memory_space<vmem>>, vector<1x16xf32>,
        %add3A_420 = arith.constant 5 : i32
        %add3A_421 = arith.addi %mul3A_85, %add3A_420 : i32
        %get3A_422 = arith.index_cast %add3A_421 : i32 to index
        %get3A_423 = arith.constant 16 : index
        %get3A_424 = tpu.vector_load %arg6[%get3A_422, %get3A_423] {strides = array<i32>} : memref<320x64xf32, #tpu.memory_space<vmem>>, vector<1x16xf32>,
        %get3A_425 = vector.shape_cast %get3A_424 : vector<1x16xf32> to vector<16xf32>
        %mul3A_426 = arith.constant 8.000000e+00 : f32
        %mul3A_427 = vector.broadcast %mul3A_426 : f32 to vector<16xf32>
        %mul3A_428 = arith.mulf %get3A_425, %mul3A_427 : vector<16xf32>
        %add3A_429 = arith.constant 5 : i32
        %add3A_430 = arith.addi %mul3A_85, %add3A_429 : i32
        %swap3A_431 = arith.index_cast %add3A_430 : i32 to index
        %swap3A_432 = arith.constant 16 : index
        %swap3A_433 = tpu.vector_load %arg8[%swap3A_431, %swap3A_432] {strides = array<i32>} : memref<320x64xf32, #tpu.memory_space<vmem>>, vector<1x16xf32>,
        %swap3A_434 = vector.shape_cast %swap3A_433 : vector<1x16xf32> to vector<16xf32>
        %swap3A_435 = vector.shape_cast %mul3A_428 : vector<16xf32> to vector<1x16xf32>
        tpu.vector_store %arg8[%swap3A_431, %swap3A_432], %swap3A_435 {strides = array<i32>} : memref<320x64xf32, #tpu.memory_space<vmem>>, vector<1x16xf32>,
        %add3A_436 = arith.constant 5 : i32
        %add3A_437 = arith.addi %mul3A_85, %add3A_436 : i32
        %get3A_438 = arith.index_cast %add3A_437 : i32 to index
        %get3A_439 = arith.constant 32 : index
        %get3A_440 = tpu.vector_load %arg6[%get3A_438, %get3A_439] {strides = array<i32>} : memref<320x64xf32, #tpu.memory_space<vmem>>, vector<1x16xf32>,
        %get3A_441 = vector.shape_cast %get3A_440 : vector<1x16xf32> to vector<16xf32>
        %mul3A_442 = arith.constant 8.000000e+00 : f32
        %mul3A_443 = vector.broadcast %mul3A_442 : f32 to vector<16xf32>
        %mul3A_444 = arith.mulf %get3A_441, %mul3A_443 : vector<16xf32>
        %add3A_445 = arith.constant 5 : i32
        %add3A_446 = arith.addi %mul3A_85, %add3A_445 : i32
        %swap3A_447 = arith.index_cast %add3A_446 : i32 to index
        %swap3A_448 = arith.constant 32 : index
        %swap3A_449 = tpu.vector_load %arg8[%swap3A_447, %swap3A_448] {strides = array<i32>} : memref<320x64xf32, #tpu.memory_space<vmem>>, vector<1x16xf32>,
        %swap3A_450 = vector.shape_cast %swap3A_449 : vector<1x16xf32> to vector<16xf32>
        %swap3A_451 = vector.shape_cast %mul3A_444 : vector<16xf32> to vector<1x16xf32>
        tpu.vector_store %arg8[%swap3A_447, %swap3A_448], %swap3A_451 {strides = array<i32>} : memref<320x64xf32, #tpu.memory_space<vmem>>, vector<1x16xf32>,
        %add3A_452 = arith.constant 5 : i32
        %add3A_453 = arith.addi %mul3A_85, %add3A_452 : i32
        %get3A_454 = arith.index_cast %add3A_453 : i32 to index
        %get3A_455 = arith.constant 48 : index
        %get3A_456 = tpu.vector_load %arg6[%get3A_454, %get3A_455] {strides = array<i32>} : memref<320x64xf32, #tpu.memory_space<vmem>>, vector<1x16xf32>,
        %get3A_457 = vector.shape_cast %get3A_456 : vector<1x16xf32> to vector<16xf32>
        %mul3A_458 = arith.constant 8.000000e+00 : f32
        %mul3A_459 = vector.broadcast %mul3A_458 : f32 to vector<16xf32>
        %mul3A_460 = arith.mulf %get3A_457, %mul3A_459 : vector<16xf32>
        %add3A_461 = arith.constant 5 : i32
        %add3A_462 = arith.addi %mul3A_85, %add3A_461 : i32
        %swap3A_463 = arith.index_cast %add3A_462 : i32 to index
        %swap3A_464 = arith.constant 48 : index
        %swap3A_465 = tpu.vector_load %arg8[%swap3A_463, %swap3A_464] {strides = array<i32>} : memref<320x64xf32, #tpu.memory_space<vmem>>, vector<1x16xf32>,
        %swap3A_466 = vector.shape_cast %swap3A_465 : vector<1x16xf32> to vector<16xf32>
        %swap3A_467 = vector.shape_cast %mul3A_460 : vector<16xf32> to vector<1x16xf32>
        tpu.vector_store %arg8[%swap3A_463, %swap3A_464], %swap3A_467 {strides = array<i32>} : memref<320x64xf32, #tpu.memory_space<vmem>>, vector<1x16xf32>,
        %add3A_468 = arith.constant 6 : i32
        %add3A_469 = arith.addi %mul3A_85, %add3A_468 : i32
        %get3A_470 = arith.index_cast %add3A_469 : i32 to index
        %get3A_471 = arith.constant 0 : index
        %get3A_472 = tpu.vector_load %arg6[%get3A_470, %get3A_471] {strides = array<i32>} : memref<320x64xf32, #tpu.memory_space<vmem>>, vector<1x16xf32>,
        %get3A_473 = vector.shape_cast %get3A_472 : vector<1x16xf32> to vector<16xf32>
        %mul3A_474 = arith.constant 8.000000e+00 : f32
        %mul3A_475 = vector.broadcast %mul3A_474 : f32 to vector<16xf32>
        %mul3A_476 = arith.mulf %get3A_473, %mul3A_475 : vector<16xf32>
        %add3A_477 = arith.constant 6 : i32
        %add3A_478 = arith.addi %mul3A_85, %add3A_477 : i32
        %swap3A_479 = arith.index_cast %add3A_478 : i32 to index
        %swap3A_480 = arith.constant 0 : index
        %swap3A_481 = tpu.vector_load %arg8[%swap3A_479, %swap3A_480] {strides = array<i32>} : memref<320x64xf32, #tpu.memory_space<vmem>>, vector<1x16xf32>,
        %swap3A_482 = vector.shape_cast %swap3A_481 : vector<1x16xf32> to vector<16xf32>
        %swap3A_483 = vector.shape_cast %mul3A_476 : vector<16xf32> to vector<1x16xf32>
        tpu.vector_store %arg8[%swap3A_479, %swap3A_480], %swap3A_483 {strides = array<i32>} : memref<320x64xf32, #tpu.memory_space<vmem>>, vector<1x16xf32>,
        %add3A_484 = arith.constant 6 : i32
        %add3A_485 = arith.addi %mul3A_85, %add3A_484 : i32
        %get3A_486 = arith.index_cast %add3A_485 : i32 to index
        %get3A_487 = arith.constant 16 : index
        %get3A_488 = tpu.vector_load %arg6[%get3A_486, %get3A_487] {strides = array<i32>} : memref<320x64xf32, #tpu.memory_space<vmem>>, vector<1x16xf32>,
        %get3A_489 = vector.shape_cast %get3A_488 : vector<1x16xf32> to vector<16xf32>
        %mul3A_490 = arith.constant 8.000000e+00 : f32
        %mul3A_491 = vector.broadcast %mul3A_490 : f32 to vector<16xf32>
        %mul3A_492 = arith.mulf %get3A_489, %mul3A_491 : vector<16xf32>
        %add3A_493 = arith.constant 6 : i32
        %add3A_494 = arith.addi %mul3A_85, %add3A_493 : i32
        %swap3A_495 = arith.index_cast %add3A_494 : i32 to index
        %swap3A_496 = arith.constant 16 : index
        %swap3A_497 = tpu.vector_load %arg8[%swap3A_495, %swap3A_496] {strides = array<i32>} : memref<320x64xf32, #tpu.memory_space<vmem>>, vector<1x16xf32>,
        %swap3A_498 = vector.shape_cast %swap3A_497 : vector<1x16xf32> to vector<16xf32>
        %swap3A_499 = vector.shape_cast %mul3A_492 : vector<16xf32> to vector<1x16xf32>
        tpu.vector_store %arg8[%swap3A_495, %swap3A_496], %swap3A_499 {strides = array<i32>} : memref<320x64xf32, #tpu.memory_space<vmem>>, vector<1x16xf32>,
        %add3A_500 = arith.constant 6 : i32
        %add3A_501 = arith.addi %mul3A_85, %add3A_500 : i32
        %get3A_502 = arith.index_cast %add3A_501 : i32 to index
        %get3A_503 = arith.constant 32 : index
        %get3A_504 = tpu.vector_load %arg6[%get3A_502, %get3A_503] {strides = array<i32>} : memref<320x64xf32, #tpu.memory_space<vmem>>, vector<1x16xf32>,
        %get3A_505 = vector.shape_cast %get3A_504 : vector<1x16xf32> to vector<16xf32>
        %mul3A_506 = arith.constant 8.000000e+00 : f32
        %mul3A_507 = vector.broadcast %mul3A_506 : f32 to vector<16xf32>
        %mul3A_508 = arith.mulf %get3A_505, %mul3A_507 : vector<16xf32>
        %add3A_509 = arith.constant 6 : i32
        %add3A_510 = arith.addi %mul3A_85, %add3A_509 : i32
        %swap3A_511 = arith.index_cast %add3A_510 : i32 to index
        %swap3A_512 = arith.constant 32 : index
        %swap3A_513 = tpu.vector_load %arg8[%swap3A_511, %swap3A_512] {strides = array<i32>} : memref<320x64xf32, #tpu.memory_space<vmem>>, vector<1x16xf32>,
        %swap3A_514 = vector.shape_cast %swap3A_513 : vector<1x16xf32> to vector<16xf32>
        %swap3A_515 = vector.shape_cast %mul3A_508 : vector<16xf32> to vector<1x16xf32>
        tpu.vector_store %arg8[%swap3A_511, %swap3A_512], %swap3A_515 {strides = array<i32>} : memref<320x64xf32, #tpu.memory_space<vmem>>, vector<1x16xf32>,
        %add3A_516 = arith.constant 6 : i32
        %add3A_517 = arith.addi %mul3A_85, %add3A_516 : i32
        %get3A_518 = arith.index_cast %add3A_517 : i32 to index
        %get3A_519 = arith.constant 48 : index
        %get3A_520 = tpu.vector_load %arg6[%get3A_518, %get3A_519] {strides = array<i32>} : memref<320x64xf32, #tpu.memory_space<vmem>>, vector<1x16xf32>,
        %get3A_521 = vector.shape_cast %get3A_520 : vector<1x16xf32> to vector<16xf32>
        %mul3A_522 = arith.constant 8.000000e+00 : f32
        %mul3A_523 = vector.broadcast %mul3A_522 : f32 to vector<16xf32>
        %mul3A_524 = arith.mulf %get3A_521, %mul3A_523 : vector<16xf32>
        %add3A_525 = arith.constant 6 : i32
        %add3A_526 = arith.addi %mul3A_85, %add3A_525 : i32
        %swap3A_527 = arith.index_cast %add3A_526 : i32 to index
        %swap3A_528 = arith.constant 48 : index
        %swap3A_529 = tpu.vector_load %arg8[%swap3A_527, %swap3A_528] {strides = array<i32>} : memref<320x64xf32, #tpu.memory_space<vmem>>, vector<1x16xf32>,
        %swap3A_530 = vector.shape_cast %swap3A_529 : vector<1x16xf32> to vector<16xf32>
        %swap3A_531 = vector.shape_cast %mul3A_524 : vector<16xf32> to vector<1x16xf32>
        tpu.vector_store %arg8[%swap3A_527, %swap3A_528], %swap3A_531 {strides = array<i32>} : memref<320x64xf32, #tpu.memory_space<vmem>>, vector<1x16xf32>,
        %add3A_532 = arith.constant 7 : i32
        %add3A_533 = arith.addi %mul3A_85, %add3A_532 : i32
        %get3A_534 = arith.index_cast %add3A_533 : i32 to index
        %get3A_535 = arith.constant 0 : index
        %get3A_536 = tpu.vector_load %arg6[%get3A_534, %get3A_535] {strides = array<i32>} : memref<320x64xf32, #tpu.memory_space<vmem>>, vector<1x16xf32>,
        %get3A_537 = vector.shape_cast %get3A_536 : vector<1x16xf32> to vector<16xf32>
        %mul3A_538 = arith.constant 8.000000e+00 : f32
        %mul3A_539 = vector.broadcast %mul3A_538 : f32 to vector<16xf32>
        %mul3A_540 = arith.mulf %get3A_537, %mul3A_539 : vector<16xf32>
        %add3A_541 = arith.constant 7 : i32
        %add3A_542 = arith.addi %mul3A_85, %add3A_541 : i32
        %swap3A_543 = arith.index_cast %add3A_542 : i32 to index
        %swap3A_544 = arith.constant 0 : index
        %swap3A_545 = tpu.vector_load %arg8[%swap3A_543, %swap3A_544] {strides = array<i32>} : memref<320x64xf32, #tpu.memory_space<vmem>>, vector<1x16xf32>,
        %swap3A_546 = vector.shape_cast %swap3A_545 : vector<1x16xf32> to vector<16xf32>
        %swap3A_547 = vector.shape_cast %mul3A_540 : vector<16xf32> to vector<1x16xf32>
        tpu.vector_store %arg8[%swap3A_543, %swap3A_544], %swap3A_547 {strides = array<i32>} : memref<320x64xf32, #tpu.memory_space<vmem>>, vector<1x16xf32>,
        %add3A_548 = arith.constant 7 : i32
        %add3A_549 = arith.addi %mul3A_85, %add3A_548 : i32
        %get3A_550 = arith.index_cast %add3A_549 : i32 to index
        %get3A_551 = arith.constant 16 : index
        %get3A_552 = tpu.vector_load %arg6[%get3A_550, %get3A_551] {strides = array<i32>} : memref<320x64xf32, #tpu.memory_space<vmem>>, vector<1x16xf32>,
        %get3A_553 = vector.shape_cast %get3A_552 : vector<1x16xf32> to vector<16xf32>
        %mul3A_554 = arith.constant 8.000000e+00 : f32
        %mul3A_555 = vector.broadcast %mul3A_554 : f32 to vector<16xf32>
        %mul3A_556 = arith.mulf %get3A_553, %mul3A_555 : vector<16xf32>
        %add3A_557 = arith.constant 7 : i32
        %add3A_558 = arith.addi %mul3A_85, %add3A_557 : i32
        %swap3A_559 = arith.index_cast %add3A_558 : i32 to index
        %swap3A_560 = arith.constant 16 : index
        %swap3A_561 = tpu.vector_load %arg8[%swap3A_559, %swap3A_560] {strides = array<i32>} : memref<320x64xf32, #tpu.memory_space<vmem>>, vector<1x16xf32>,
        %swap3A_562 = vector.shape_cast %swap3A_561 : vector<1x16xf32> to vector<16xf32>
        %swap3A_563 = vector.shape_cast %mul3A_556 : vector<16xf32> to vector<1x16xf32>
        tpu.vector_store %arg8[%swap3A_559, %swap3A_560], %swap3A_563 {strides = array<i32>} : memref<320x64xf32, #tpu.memory_space<vmem>>, vector<1x16xf32>,
        %add3A_564 = arith.constant 7 : i32
        %add3A_565 = arith.addi %mul3A_85, %add3A_564 : i32
        %get3A_566 = arith.index_cast %add3A_565 : i32 to index
        %get3A_567 = arith.constant 32 : index
        %get3A_568 = tpu.vector_load %arg6[%get3A_566, %get3A_567] {strides = array<i32>} : memref<320x64xf32, #tpu.memory_space<vmem>>, vector<1x16xf32>,
        %get3A_569 = vector.shape_cast %get3A_568 : vector<1x16xf32> to vector<16xf32>
        %mul3A_570 = arith.constant 8.000000e+00 : f32
        %mul3A_571 = vector.broadcast %mul3A_570 : f32 to vector<16xf32>
        %mul3A_572 = arith.mulf %get3A_569, %mul3A_571 : vector<16xf32>
        %add3A_573 = arith.constant 7 : i32
        %add3A_574 = arith.addi %mul3A_85, %add3A_573 : i32
        %swap3A_575 = arith.index_cast %add3A_574 : i32 to index
        %swap3A_576 = arith.constant 32 : index
        %swap3A_577 = tpu.vector_load %arg8[%swap3A_575, %swap3A_576] {strides = array<i32>} : memref<320x64xf32, #tpu.memory_space<vmem>>, vector<1x16xf32>,
        %swap3A_578 = vector.shape_cast %swap3A_577 : vector<1x16xf32> to vector<16xf32>
        %swap3A_579 = vector.shape_cast %mul3A_572 : vector<16xf32> to vector<1x16xf32>
        tpu.vector_store %arg8[%swap3A_575, %swap3A_576], %swap3A_579 {strides = array<i32>} : memref<320x64xf32, #tpu.memory_space<vmem>>, vector<1x16xf32>,
        %add3A_580 = arith.constant 7 : i32
        %add3A_581 = arith.addi %mul3A_85, %add3A_580 : i32
        %get3A_582 = arith.index_cast %add3A_581 : i32 to index
        %get3A_583 = arith.constant 48 : index
        %get3A_584 = tpu.vector_load %arg6[%get3A_582, %get3A_583] {strides = array<i32>} : memref<320x64xf32, #tpu.memory_space<vmem>>, vector<1x16xf32>,
        %get3A_585 = vector.shape_cast %get3A_584 : vector<1x16xf32> to vector<16xf32>
        %mul3A_586 = arith.constant 8.000000e+00 : f32
        %mul3A_587 = vector.broadcast %mul3A_586 : f32 to vector<16xf32>
        %mul3A_588 = arith.mulf %get3A_585, %mul3A_587 : vector<16xf32>
        %add3A_589 = arith.constant 7 : i32
        %add3A_590 = arith.addi %mul3A_85, %add3A_589 : i32
        %swap3A_591 = arith.index_cast %add3A_590 : i32 to index
        %swap3A_592 = arith.constant 48 : index
        %swap3A_593 = tpu.vector_load %arg8[%swap3A_591, %swap3A_592] {strides = array<i32>} : memref<320x64xf32, #tpu.memory_space<vmem>>, vector<1x16xf32>,
        %swap3A_594 = vector.shape_cast %swap3A_593 : vector<1x16xf32> to vector<16xf32>
        %swap3A_595 = vector.shape_cast %mul3A_588 : vector<16xf32> to vector<1x16xf32>
        tpu.vector_store %arg8[%swap3A_591, %swap3A_592], %swap3A_595 {strides = array<i32>} : memref<320x64xf32, #tpu.memory_space<vmem>>, vector<1x16xf32>,
      }
      %scan3A_42 = arith.constant 40 : i32
      %lt3A = arith.constant 39 : i32
      %lt3A_43 = arith.cmpi slt, %scan3A_24, %lt3A : i32
      %convert_element_type3A_44 = arith.extui %lt3A_43 : i1 to i32
      %cond3A_45 = arith.constant 0 : i32
      %cond3A_46 = arith.cmpi ne, %convert_element_type3A_44, %cond3A_45 : i32
      scf.if %cond3A_46 {
        %add3A_83 = arith.constant 640 : i32
        %add3A_84 = arith.addi %mul3A_30, %add3A_83 : i32
        %dma_start3A_85 = tpu.memref_slice %arg5[%add3A_84] : memref<25600xi32, #tpu.memory_space<vmem>> -> memref<320xi32, #tpu.memory_space<vmem>>
        %dma_start3A_86 = arith.constant 0 : i32
        %dma_start3A_87 = arith.constant 0 : i32
        %dma_start3A_88 = tpu.memref_slice %arg3[%dma_start3A_86, %dma_start3A_87] : memref<1000000x64xf32, #tpu.memory_space<hbm>> -> memref<1000000x64xf32, #tpu.memory_space<hbm>>
        tpu.enqueue_indirect_dma source(%dma_start3A_88 : memref<1000000x64xf32, #tpu.memory_space<hbm>>) target(%arg6 : memref<320x64xf32, #tpu.memory_space<vmem>>) offsets(%dma_start3A_85 : memref<320xi32, #tpu.memory_space<vmem>>) semaphore(%arg10 : memref<!tpu.dma_semaphore, #tpu.memory_space<semaphore_mem>>)
      } else {
      }
      %add3A_47 = arith.addi %mul3A_2, %mul3A_30 : i32
      %dma_start3A_48 = arith.constant 0 : i32
      %dma_start3A_49 = tpu.memref_slice %arg4[%add3A_47, %dma_start3A_48] : memref<819200x64xf32, #tpu.memory_space<hbm>> -> memref<320x64xf32, #tpu.memory_space<hbm>>
      %dma_start3A_50 = arith.constant 0 : i32
      %dma_start3A_51 = tpu.memref_slice %arg4[%add3A_47, %dma_start3A_50] : memref<819200x64xf32, #tpu.memory_space<hbm>> -> memref<320x64xf32, #tpu.memory_space<hbm>>
      tpu.enqueue_dma source(%arg8 : memref<320x64xf32, #tpu.memory_space<vmem>>) target(%dma_start3A_51 : memref<320x64xf32, #tpu.memory_space<hbm>>) target_semaphore(%arg12 : memref<!tpu.dma_semaphore, #tpu.memory_space<semaphore_mem>>)
      %mul3A_52 = arith.constant 2 : i32
      %mul3A_53 = arith.muli %scan3A_24, %mul3A_52 : i32
      %add3A_54 = arith.constant 1 : i32
      %add3A_55 = arith.addi %mul3A_53, %add3A_54 : i32
      %mul3A_56 = arith.constant 320 : i32
      %mul3A_57 = arith.muli %add3A_55, %mul3A_56 : i32
      %dma_wait3A_58 = tpu.memref_slice %arg5[%mul3A_57] : memref<25600xi32, #tpu.memory_space<vmem>> -> memref<320xi32, #tpu.memory_space<vmem>>
      %dma_wait3A_59 = arith.constant 0 : i32
      %dma_wait3A_60 = arith.constant 0 : i32
      %dma_wait3A_61 = tpu.memref_slice %arg3[%dma_wait3A_59, %dma_wait3A_60] : memref<1000000x64xf32, #tpu.memory_space<hbm>> -> memref<1000000x64xf32, #tpu.memory_space<hbm>>
      tpu.wait_indirect_dma semaphore(%arg11 : memref<!tpu.dma_semaphore, #tpu.memory_space<semaphore_mem>>) src(%dma_wait3A_61 : memref<1000000x64xf32, #tpu.memory_space<hbm>>) dst(%arg7 : memref<320x64xf32, #tpu.memory_space<vmem>>)
      %gt3A_62 = arith.constant 0 : i32
      %gt3A_63 = arith.cmpi sgt, %scan3A_24, %gt3A_62 : i32
      %convert_element_type3A_64 = arith.extui %gt3A_63 : i1 to i32
      %cond3A_65 = arith.constant 0 : i32
      %cond3A_66 = arith.cmpi ne, %convert_element_type3A_64, %cond3A_65 : i32
      scf.if %cond3A_66 {
        %dma_wait3A_83 = arith.constant 0 : i32
        %dma_wait3A_84 = tpu.memref_slice %arg4[%mul3A_2, %dma_wait3A_83] : memref<819200x64xf32, #tpu.memory_space<hbm>> -> memref<320x64xf32, #tpu.memory_space<hbm>>
        %dma_wait3A_85 = arith.constant 0 : i32
        %dma_wait3A_86 = tpu.memref_slice %arg4[%mul3A_2, %dma_wait3A_85] : memref<819200x64xf32, #tpu.memory_space<hbm>> -> memref<320x64xf32, #tpu.memory_space<hbm>>
        tpu.wait_dma2 semaphore(%arg13 : memref<!tpu.dma_semaphore, #tpu.memory_space<semaphore_mem>>) src(%arg9 : memref<320x64xf32, #tpu.memory_space<vmem>>) dst(%dma_wait3A_86 : memref<320x64xf32, #tpu.memory_space<hbm>>)
      } else {
      }
      %scan3A_67 = arith.constant 0 : i32
      %scan3A_68 = arith.constant 0 : i32
      %scan3A_69 = arith.constant 40 : i32
      %scan3A_70 = arith.addi %scan3A_68, %scan3A_69 : i32
      %scan3A_71 = arith.constant 1 : i32
      scf.for %scan3A_83 = %scan3A_68 to %scan3A_70 step %scan3A_71  : i32 {
        %mul3A_84 = arith.constant 8 : i32
        %mul3A_85 = arith.muli %scan3A_83, %mul3A_84 : i32
        %add3A_86 = arith.constant 0 : i32
        %add3A_87 = arith.addi %mul3A_85, %add3A_86 : i32
        %get3A = arith.index_cast %add3A_87 : i32 to index
        %get3A_88 = arith.constant 0 : index
        %get3A_89 = tpu.vector_load %arg7[%get3A, %get3A_88] {strides = array<i32>} : memref<320x64xf32, #tpu.memory_space<vmem>>, vector<1x16xf32>,
        %get3A_90 = vector.shape_cast %get3A_89 : vector<1x16xf32> to vector<16xf32>
        %mul3A_91 = arith.constant 8.000000e+00 : f32
        %mul3A_92 = vector.broadcast %mul3A_91 : f32 to vector<16xf32>
        %mul3A_93 = arith.mulf %get3A_90, %mul3A_92 : vector<16xf32>
        %add3A_94 = arith.constant 0 : i32
        %add3A_95 = arith.addi %mul3A_85, %add3A_94 : i32
        %swap3A = arith.index_cast %add3A_95 : i32 to index
        %swap3A_96 = arith.constant 0 : index
        %swap3A_97 = tpu.vector_load %arg9[%swap3A, %swap3A_96] {strides = array<i32>} : memref<320x64xf32, #tpu.memory_space<vmem>>, vector<1x16xf32>,
        %swap3A_98 = vector.shape_cast %swap3A_97 : vector<1x16xf32> to vector<16xf32>
        %swap3A_99 = vector.shape_cast %mul3A_93 : vector<16xf32> to vector<1x16xf32>
        tpu.vector_store %arg9[%swap3A, %swap3A_96], %swap3A_99 {strides = array<i32>} : memref<320x64xf32, #tpu.memory_space<vmem>>, vector<1x16xf32>,
        %add3A_100 = arith.constant 0 : i32
        %add3A_101 = arith.addi %mul3A_85, %add3A_100 : i32
        %get3A_102 = arith.index_cast %add3A_101 : i32 to index
        %get3A_103 = arith.constant 16 : index
        %get3A_104 = tpu.vector_load %arg7[%get3A_102, %get3A_103] {strides = array<i32>} : memref<320x64xf32, #tpu.memory_space<vmem>>, vector<1x16xf32>,
        %get3A_105 = vector.shape_cast %get3A_104 : vector<1x16xf32> to vector<16xf32>
        %mul3A_106 = arith.constant 8.000000e+00 : f32
        %mul3A_107 = vector.broadcast %mul3A_106 : f32 to vector<16xf32>
        %mul3A_108 = arith.mulf %get3A_105, %mul3A_107 : vector<16xf32>
        %add3A_109 = arith.constant 0 : i32
        %add3A_110 = arith.addi %mul3A_85, %add3A_109 : i32
        %swap3A_111 = arith.index_cast %add3A_110 : i32 to index
        %swap3A_112 = arith.constant 16 : index
        %swap3A_113 = tpu.vector_load %arg9[%swap3A_111, %swap3A_112] {strides = array<i32>} : memref<320x64xf32, #tpu.memory_space<vmem>>, vector<1x16xf32>,
        %swap3A_114 = vector.shape_cast %swap3A_113 : vector<1x16xf32> to vector<16xf32>
        %swap3A_115 = vector.shape_cast %mul3A_108 : vector<16xf32> to vector<1x16xf32>
        tpu.vector_store %arg9[%swap3A_111, %swap3A_112], %swap3A_115 {strides = array<i32>} : memref<320x64xf32, #tpu.memory_space<vmem>>, vector<1x16xf32>,
        %add3A_116 = arith.constant 0 : i32
        %add3A_117 = arith.addi %mul3A_85, %add3A_116 : i32
        %get3A_118 = arith.index_cast %add3A_117 : i32 to index
        %get3A_119 = arith.constant 32 : index
        %get3A_120 = tpu.vector_load %arg7[%get3A_118, %get3A_119] {strides = array<i32>} : memref<320x64xf32, #tpu.memory_space<vmem>>, vector<1x16xf32>,
        %get3A_121 = vector.shape_cast %get3A_120 : vector<1x16xf32> to vector<16xf32>
        %mul3A_122 = arith.constant 8.000000e+00 : f32
        %mul3A_123 = vector.broadcast %mul3A_122 : f32 to vector<16xf32>
        %mul3A_124 = arith.mulf %get3A_121, %mul3A_123 : vector<16xf32>
        %add3A_125 = arith.constant 0 : i32
        %add3A_126 = arith.addi %mul3A_85, %add3A_125 : i32
        %swap3A_127 = arith.index_cast %add3A_126 : i32 to index
        %swap3A_128 = arith.constant 32 : index
        %swap3A_129 = tpu.vector_load %arg9[%swap3A_127, %swap3A_128] {strides = array<i32>} : memref<320x64xf32, #tpu.memory_space<vmem>>, vector<1x16xf32>,
        %swap3A_130 = vector.shape_cast %swap3A_129 : vector<1x16xf32> to vector<16xf32>
        %swap3A_131 = vector.shape_cast %mul3A_124 : vector<16xf32> to vector<1x16xf32>
        tpu.vector_store %arg9[%swap3A_127, %swap3A_128], %swap3A_131 {strides = array<i32>} : memref<320x64xf32, #tpu.memory_space<vmem>>, vector<1x16xf32>,
        %add3A_132 = arith.constant 0 : i32
        %add3A_133 = arith.addi %mul3A_85, %add3A_132 : i32
        %get3A_134 = arith.index_cast %add3A_133 : i32 to index
        %get3A_135 = arith.constant 48 : index
        %get3A_136 = tpu.vector_load %arg7[%get3A_134, %get3A_135] {strides = array<i32>} : memref<320x64xf32, #tpu.memory_space<vmem>>, vector<1x16xf32>,
        %get3A_137 = vector.shape_cast %get3A_136 : vector<1x16xf32> to vector<16xf32>
        %mul3A_138 = arith.constant 8.000000e+00 : f32
        %mul3A_139 = vector.broadcast %mul3A_138 : f32 to vector<16xf32>
        %mul3A_140 = arith.mulf %get3A_137, %mul3A_139 : vector<16xf32>
        %add3A_141 = arith.constant 0 : i32
        %add3A_142 = arith.addi %mul3A_85, %add3A_141 : i32
        %swap3A_143 = arith.index_cast %add3A_142 : i32 to index
        %swap3A_144 = arith.constant 48 : index
        %swap3A_145 = tpu.vector_load %arg9[%swap3A_143, %swap3A_144] {strides = array<i32>} : memref<320x64xf32, #tpu.memory_space<vmem>>, vector<1x16xf32>,
        %swap3A_146 = vector.shape_cast %swap3A_145 : vector<1x16xf32> to vector<16xf32>
        %swap3A_147 = vector.shape_cast %mul3A_140 : vector<16xf32> to vector<1x16xf32>
        tpu.vector_store %arg9[%swap3A_143, %swap3A_144], %swap3A_147 {strides = array<i32>} : memref<320x64xf32, #tpu.memory_space<vmem>>, vector<1x16xf32>,
        %add3A_148 = arith.constant 1 : i32
        %add3A_149 = arith.addi %mul3A_85, %add3A_148 : i32
        %get3A_150 = arith.index_cast %add3A_149 : i32 to index
        %get3A_151 = arith.constant 0 : index
        %get3A_152 = tpu.vector_load %arg7[%get3A_150, %get3A_151] {strides = array<i32>} : memref<320x64xf32, #tpu.memory_space<vmem>>, vector<1x16xf32>,
        %get3A_153 = vector.shape_cast %get3A_152 : vector<1x16xf32> to vector<16xf32>
        %mul3A_154 = arith.constant 8.000000e+00 : f32
        %mul3A_155 = vector.broadcast %mul3A_154 : f32 to vector<16xf32>
        %mul3A_156 = arith.mulf %get3A_153, %mul3A_155 : vector<16xf32>
        %add3A_157 = arith.constant 1 : i32
        %add3A_158 = arith.addi %mul3A_85, %add3A_157 : i32
        %swap3A_159 = arith.index_cast %add3A_158 : i32 to index
        %swap3A_160 = arith.constant 0 : index
        %swap3A_161 = tpu.vector_load %arg9[%swap3A_159, %swap3A_160] {strides = array<i32>} : memref<320x64xf32, #tpu.memory_space<vmem>>, vector<1x16xf32>,
        %swap3A_162 = vector.shape_cast %swap3A_161 : vector<1x16xf32> to vector<16xf32>
        %swap3A_163 = vector.shape_cast %mul3A_156 : vector<16xf32> to vector<1x16xf32>
        tpu.vector_store %arg9[%swap3A_159, %swap3A_160], %swap3A_163 {strides = array<i32>} : memref<320x64xf32, #tpu.memory_space<vmem>>, vector<1x16xf32>,
        %add3A_164 = arith.constant 1 : i32
        %add3A_165 = arith.addi %mul3A_85, %add3A_164 : i32
        %get3A_166 = arith.index_cast %add3A_165 : i32 to index
        %get3A_167 = arith.constant 16 : index
        %get3A_168 = tpu.vector_load %arg7[%get3A_166, %get3A_167] {strides = array<i32>} : memref<320x64xf32, #tpu.memory_space<vmem>>, vector<1x16xf32>,
        %get3A_169 = vector.shape_cast %get3A_168 : vector<1x16xf32> to vector<16xf32>
        %mul3A_170 = arith.constant 8.000000e+00 : f32
        %mul3A_171 = vector.broadcast %mul3A_170 : f32 to vector<16xf32>
        %mul3A_172 = arith.mulf %get3A_169, %mul3A_171 : vector<16xf32>
        %add3A_173 = arith.constant 1 : i32
        %add3A_174 = arith.addi %mul3A_85, %add3A_173 : i32
        %swap3A_175 = arith.index_cast %add3A_174 : i32 to index
        %swap3A_176 = arith.constant 16 : index
        %swap3A_177 = tpu.vector_load %arg9[%swap3A_175, %swap3A_176] {strides = array<i32>} : memref<320x64xf32, #tpu.memory_space<vmem>>, vector<1x16xf32>,
        %swap3A_178 = vector.shape_cast %swap3A_177 : vector<1x16xf32> to vector<16xf32>
        %swap3A_179 = vector.shape_cast %mul3A_172 : vector<16xf32> to vector<1x16xf32>
        tpu.vector_store %arg9[%swap3A_175, %swap3A_176], %swap3A_179 {strides = array<i32>} : memref<320x64xf32, #tpu.memory_space<vmem>>, vector<1x16xf32>,
        %add3A_180 = arith.constant 1 : i32
        %add3A_181 = arith.addi %mul3A_85, %add3A_180 : i32
        %get3A_182 = arith.index_cast %add3A_181 : i32 to index
        %get3A_183 = arith.constant 32 : index
        %get3A_184 = tpu.vector_load %arg7[%get3A_182, %get3A_183] {strides = array<i32>} : memref<320x64xf32, #tpu.memory_space<vmem>>, vector<1x16xf32>,
        %get3A_185 = vector.shape_cast %get3A_184 : vector<1x16xf32> to vector<16xf32>
        %mul3A_186 = arith.constant 8.000000e+00 : f32
        %mul3A_187 = vector.broadcast %mul3A_186 : f32 to vector<16xf32>
        %mul3A_188 = arith.mulf %get3A_185, %mul3A_187 : vector<16xf32>
        %add3A_189 = arith.constant 1 : i32
        %add3A_190 = arith.addi %mul3A_85, %add3A_189 : i32
        %swap3A_191 = arith.index_cast %add3A_190 : i32 to index
        %swap3A_192 = arith.constant 32 : index
        %swap3A_193 = tpu.vector_load %arg9[%swap3A_191, %swap3A_192] {strides = array<i32>} : memref<320x64xf32, #tpu.memory_space<vmem>>, vector<1x16xf32>,
        %swap3A_194 = vector.shape_cast %swap3A_193 : vector<1x16xf32> to vector<16xf32>
        %swap3A_195 = vector.shape_cast %mul3A_188 : vector<16xf32> to vector<1x16xf32>
        tpu.vector_store %arg9[%swap3A_191, %swap3A_192], %swap3A_195 {strides = array<i32>} : memref<320x64xf32, #tpu.memory_space<vmem>>, vector<1x16xf32>,
        %add3A_196 = arith.constant 1 : i32
        %add3A_197 = arith.addi %mul3A_85, %add3A_196 : i32
        %get3A_198 = arith.index_cast %add3A_197 : i32 to index
        %get3A_199 = arith.constant 48 : index
        %get3A_200 = tpu.vector_load %arg7[%get3A_198, %get3A_199] {strides = array<i32>} : memref<320x64xf32, #tpu.memory_space<vmem>>, vector<1x16xf32>,
        %get3A_201 = vector.shape_cast %get3A_200 : vector<1x16xf32> to vector<16xf32>
        %mul3A_202 = arith.constant 8.000000e+00 : f32
        %mul3A_203 = vector.broadcast %mul3A_202 : f32 to vector<16xf32>
        %mul3A_204 = arith.mulf %get3A_201, %mul3A_203 : vector<16xf32>
        %add3A_205 = arith.constant 1 : i32
        %add3A_206 = arith.addi %mul3A_85, %add3A_205 : i32
        %swap3A_207 = arith.index_cast %add3A_206 : i32 to index
        %swap3A_208 = arith.constant 48 : index
        %swap3A_209 = tpu.vector_load %arg9[%swap3A_207, %swap3A_208] {strides = array<i32>} : memref<320x64xf32, #tpu.memory_space<vmem>>, vector<1x16xf32>,
        %swap3A_210 = vector.shape_cast %swap3A_209 : vector<1x16xf32> to vector<16xf32>
        %swap3A_211 = vector.shape_cast %mul3A_204 : vector<16xf32> to vector<1x16xf32>
        tpu.vector_store %arg9[%swap3A_207, %swap3A_208], %swap3A_211 {strides = array<i32>} : memref<320x64xf32, #tpu.memory_space<vmem>>, vector<1x16xf32>,
        %add3A_212 = arith.constant 2 : i32
        %add3A_213 = arith.addi %mul3A_85, %add3A_212 : i32
        %get3A_214 = arith.index_cast %add3A_213 : i32 to index
        %get3A_215 = arith.constant 0 : index
        %get3A_216 = tpu.vector_load %arg7[%get3A_214, %get3A_215] {strides = array<i32>} : memref<320x64xf32, #tpu.memory_space<vmem>>, vector<1x16xf32>,
        %get3A_217 = vector.shape_cast %get3A_216 : vector<1x16xf32> to vector<16xf32>
        %mul3A_218 = arith.constant 8.000000e+00 : f32
        %mul3A_219 = vector.broadcast %mul3A_218 : f32 to vector<16xf32>
        %mul3A_220 = arith.mulf %get3A_217, %mul3A_219 : vector<16xf32>
        %add3A_221 = arith.constant 2 : i32
        %add3A_222 = arith.addi %mul3A_85, %add3A_221 : i32
        %swap3A_223 = arith.index_cast %add3A_222 : i32 to index
        %swap3A_224 = arith.constant 0 : index
        %swap3A_225 = tpu.vector_load %arg9[%swap3A_223, %swap3A_224] {strides = array<i32>} : memref<320x64xf32, #tpu.memory_space<vmem>>, vector<1x16xf32>,
        %swap3A_226 = vector.shape_cast %swap3A_225 : vector<1x16xf32> to vector<16xf32>
        %swap3A_227 = vector.shape_cast %mul3A_220 : vector<16xf32> to vector<1x16xf32>
        tpu.vector_store %arg9[%swap3A_223, %swap3A_224], %swap3A_227 {strides = array<i32>} : memref<320x64xf32, #tpu.memory_space<vmem>>, vector<1x16xf32>,
        %add3A_228 = arith.constant 2 : i32
        %add3A_229 = arith.addi %mul3A_85, %add3A_228 : i32
        %get3A_230 = arith.index_cast %add3A_229 : i32 to index
        %get3A_231 = arith.constant 16 : index
        %get3A_232 = tpu.vector_load %arg7[%get3A_230, %get3A_231] {strides = array<i32>} : memref<320x64xf32, #tpu.memory_space<vmem>>, vector<1x16xf32>,
        %get3A_233 = vector.shape_cast %get3A_232 : vector<1x16xf32> to vector<16xf32>
        %mul3A_234 = arith.constant 8.000000e+00 : f32
        %mul3A_235 = vector.broadcast %mul3A_234 : f32 to vector<16xf32>
        %mul3A_236 = arith.mulf %get3A_233, %mul3A_235 : vector<16xf32>
        %add3A_237 = arith.constant 2 : i32
        %add3A_238 = arith.addi %mul3A_85, %add3A_237 : i32
        %swap3A_239 = arith.index_cast %add3A_238 : i32 to index
        %swap3A_240 = arith.constant 16 : index
        %swap3A_241 = tpu.vector_load %arg9[%swap3A_239, %swap3A_240] {strides = array<i32>} : memref<320x64xf32, #tpu.memory_space<vmem>>, vector<1x16xf32>,
        %swap3A_242 = vector.shape_cast %swap3A_241 : vector<1x16xf32> to vector<16xf32>
        %swap3A_243 = vector.shape_cast %mul3A_236 : vector<16xf32> to vector<1x16xf32>
        tpu.vector_store %arg9[%swap3A_239, %swap3A_240], %swap3A_243 {strides = array<i32>} : memref<320x64xf32, #tpu.memory_space<vmem>>, vector<1x16xf32>,
        %add3A_244 = arith.constant 2 : i32
        %add3A_245 = arith.addi %mul3A_85, %add3A_244 : i32
        %get3A_246 = arith.index_cast %add3A_245 : i32 to index
        %get3A_247 = arith.constant 32 : index
        %get3A_248 = tpu.vector_load %arg7[%get3A_246, %get3A_247] {strides = array<i32>} : memref<320x64xf32, #tpu.memory_space<vmem>>, vector<1x16xf32>,
        %get3A_249 = vector.shape_cast %get3A_248 : vector<1x16xf32> to vector<16xf32>
        %mul3A_250 = arith.constant 8.000000e+00 : f32
        %mul3A_251 = vector.broadcast %mul3A_250 : f32 to vector<16xf32>
        %mul3A_252 = arith.mulf %get3A_249, %mul3A_251 : vector<16xf32>
        %add3A_253 = arith.constant 2 : i32
        %add3A_254 = arith.addi %mul3A_85, %add3A_253 : i32
        %swap3A_255 = arith.index_cast %add3A_254 : i32 to index
        %swap3A_256 = arith.constant 32 : index
        %swap3A_257 = tpu.vector_load %arg9[%swap3A_255, %swap3A_256] {strides = array<i32>} : memref<320x64xf32, #tpu.memory_space<vmem>>, vector<1x16xf32>,
        %swap3A_258 = vector.shape_cast %swap3A_257 : vector<1x16xf32> to vector<16xf32>
        %swap3A_259 = vector.shape_cast %mul3A_252 : vector<16xf32> to vector<1x16xf32>
        tpu.vector_store %arg9[%swap3A_255, %swap3A_256], %swap3A_259 {strides = array<i32>} : memref<320x64xf32, #tpu.memory_space<vmem>>, vector<1x16xf32>,
        %add3A_260 = arith.constant 2 : i32
        %add3A_261 = arith.addi %mul3A_85, %add3A_260 : i32
        %get3A_262 = arith.index_cast %add3A_261 : i32 to index
        %get3A_263 = arith.constant 48 : index
        %get3A_264 = tpu.vector_load %arg7[%get3A_262, %get3A_263] {strides = array<i32>} : memref<320x64xf32, #tpu.memory_space<vmem>>, vector<1x16xf32>,
        %get3A_265 = vector.shape_cast %get3A_264 : vector<1x16xf32> to vector<16xf32>
        %mul3A_266 = arith.constant 8.000000e+00 : f32
        %mul3A_267 = vector.broadcast %mul3A_266 : f32 to vector<16xf32>
        %mul3A_268 = arith.mulf %get3A_265, %mul3A_267 : vector<16xf32>
        %add3A_269 = arith.constant 2 : i32
        %add3A_270 = arith.addi %mul3A_85, %add3A_269 : i32
        %swap3A_271 = arith.index_cast %add3A_270 : i32 to index
        %swap3A_272 = arith.constant 48 : index
        %swap3A_273 = tpu.vector_load %arg9[%swap3A_271, %swap3A_272] {strides = array<i32>} : memref<320x64xf32, #tpu.memory_space<vmem>>, vector<1x16xf32>,
        %swap3A_274 = vector.shape_cast %swap3A_273 : vector<1x16xf32> to vector<16xf32>
        %swap3A_275 = vector.shape_cast %mul3A_268 : vector<16xf32> to vector<1x16xf32>
        tpu.vector_store %arg9[%swap3A_271, %swap3A_272], %swap3A_275 {strides = array<i32>} : memref<320x64xf32, #tpu.memory_space<vmem>>, vector<1x16xf32>,
        %add3A_276 = arith.constant 3 : i32
        %add3A_277 = arith.addi %mul3A_85, %add3A_276 : i32
        %get3A_278 = arith.index_cast %add3A_277 : i32 to index
        %get3A_279 = arith.constant 0 : index
        %get3A_280 = tpu.vector_load %arg7[%get3A_278, %get3A_279] {strides = array<i32>} : memref<320x64xf32, #tpu.memory_space<vmem>>, vector<1x16xf32>,
        %get3A_281 = vector.shape_cast %get3A_280 : vector<1x16xf32> to vector<16xf32>
        %mul3A_282 = arith.constant 8.000000e+00 : f32
        %mul3A_283 = vector.broadcast %mul3A_282 : f32 to vector<16xf32>
        %mul3A_284 = arith.mulf %get3A_281, %mul3A_283 : vector<16xf32>
        %add3A_285 = arith.constant 3 : i32
        %add3A_286 = arith.addi %mul3A_85, %add3A_285 : i32
        %swap3A_287 = arith.index_cast %add3A_286 : i32 to index
        %swap3A_288 = arith.constant 0 : index
        %swap3A_289 = tpu.vector_load %arg9[%swap3A_287, %swap3A_288] {strides = array<i32>} : memref<320x64xf32, #tpu.memory_space<vmem>>, vector<1x16xf32>,
        %swap3A_290 = vector.shape_cast %swap3A_289 : vector<1x16xf32> to vector<16xf32>
        %swap3A_291 = vector.shape_cast %mul3A_284 : vector<16xf32> to vector<1x16xf32>
        tpu.vector_store %arg9[%swap3A_287, %swap3A_288], %swap3A_291 {strides = array<i32>} : memref<320x64xf32, #tpu.memory_space<vmem>>, vector<1x16xf32>,
        %add3A_292 = arith.constant 3 : i32
        %add3A_293 = arith.addi %mul3A_85, %add3A_292 : i32
        %get3A_294 = arith.index_cast %add3A_293 : i32 to index
        %get3A_295 = arith.constant 16 : index
        %get3A_296 = tpu.vector_load %arg7[%get3A_294, %get3A_295] {strides = array<i32>} : memref<320x64xf32, #tpu.memory_space<vmem>>, vector<1x16xf32>,
        %get3A_297 = vector.shape_cast %get3A_296 : vector<1x16xf32> to vector<16xf32>
        %mul3A_298 = arith.constant 8.000000e+00 : f32
        %mul3A_299 = vector.broadcast %mul3A_298 : f32 to vector<16xf32>
        %mul3A_300 = arith.mulf %get3A_297, %mul3A_299 : vector<16xf32>
        %add3A_301 = arith.constant 3 : i32
        %add3A_302 = arith.addi %mul3A_85, %add3A_301 : i32
        %swap3A_303 = arith.index_cast %add3A_302 : i32 to index
        %swap3A_304 = arith.constant 16 : index
        %swap3A_305 = tpu.vector_load %arg9[%swap3A_303, %swap3A_304] {strides = array<i32>} : memref<320x64xf32, #tpu.memory_space<vmem>>, vector<1x16xf32>,
        %swap3A_306 = vector.shape_cast %swap3A_305 : vector<1x16xf32> to vector<16xf32>
        %swap3A_307 = vector.shape_cast %mul3A_300 : vector<16xf32> to vector<1x16xf32>
        tpu.vector_store %arg9[%swap3A_303, %swap3A_304], %swap3A_307 {strides = array<i32>} : memref<320x64xf32, #tpu.memory_space<vmem>>, vector<1x16xf32>,
        %add3A_308 = arith.constant 3 : i32
        %add3A_309 = arith.addi %mul3A_85, %add3A_308 : i32
        %get3A_310 = arith.index_cast %add3A_309 : i32 to index
        %get3A_311 = arith.constant 32 : index
        %get3A_312 = tpu.vector_load %arg7[%get3A_310, %get3A_311] {strides = array<i32>} : memref<320x64xf32, #tpu.memory_space<vmem>>, vector<1x16xf32>,
        %get3A_313 = vector.shape_cast %get3A_312 : vector<1x16xf32> to vector<16xf32>
        %mul3A_314 = arith.constant 8.000000e+00 : f32
        %mul3A_315 = vector.broadcast %mul3A_314 : f32 to vector<16xf32>
        %mul3A_316 = arith.mulf %get3A_313, %mul3A_315 : vector<16xf32>
        %add3A_317 = arith.constant 3 : i32
        %add3A_318 = arith.addi %mul3A_85, %add3A_317 : i32
        %swap3A_319 = arith.index_cast %add3A_318 : i32 to index
        %swap3A_320 = arith.constant 32 : index
        %swap3A_321 = tpu.vector_load %arg9[%swap3A_319, %swap3A_320] {strides = array<i32>} : memref<320x64xf32, #tpu.memory_space<vmem>>, vector<1x16xf32>,
        %swap3A_322 = vector.shape_cast %swap3A_321 : vector<1x16xf32> to vector<16xf32>
        %swap3A_323 = vector.shape_cast %mul3A_316 : vector<16xf32> to vector<1x16xf32>
        tpu.vector_store %arg9[%swap3A_319, %swap3A_320], %swap3A_323 {strides = array<i32>} : memref<320x64xf32, #tpu.memory_space<vmem>>, vector<1x16xf32>,
        %add3A_324 = arith.constant 3 : i32
        %add3A_325 = arith.addi %mul3A_85, %add3A_324 : i32
        %get3A_326 = arith.index_cast %add3A_325 : i32 to index
        %get3A_327 = arith.constant 48 : index
        %get3A_328 = tpu.vector_load %arg7[%get3A_326, %get3A_327] {strides = array<i32>} : memref<320x64xf32, #tpu.memory_space<vmem>>, vector<1x16xf32>,
        %get3A_329 = vector.shape_cast %get3A_328 : vector<1x16xf32> to vector<16xf32>
        %mul3A_330 = arith.constant 8.000000e+00 : f32
        %mul3A_331 = vector.broadcast %mul3A_330 : f32 to vector<16xf32>
        %mul3A_332 = arith.mulf %get3A_329, %mul3A_331 : vector<16xf32>
        %add3A_333 = arith.constant 3 : i32
        %add3A_334 = arith.addi %mul3A_85, %add3A_333 : i32
        %swap3A_335 = arith.index_cast %add3A_334 : i32 to index
        %swap3A_336 = arith.constant 48 : index
        %swap3A_337 = tpu.vector_load %arg9[%swap3A_335, %swap3A_336] {strides = array<i32>} : memref<320x64xf32, #tpu.memory_space<vmem>>, vector<1x16xf32>,
        %swap3A_338 = vector.shape_cast %swap3A_337 : vector<1x16xf32> to vector<16xf32>
        %swap3A_339 = vector.shape_cast %mul3A_332 : vector<16xf32> to vector<1x16xf32>
        tpu.vector_store %arg9[%swap3A_335, %swap3A_336], %swap3A_339 {strides = array<i32>} : memref<320x64xf32, #tpu.memory_space<vmem>>, vector<1x16xf32>,
        %add3A_340 = arith.constant 4 : i32
        %add3A_341 = arith.addi %mul3A_85, %add3A_340 : i32
        %get3A_342 = arith.index_cast %add3A_341 : i32 to index
        %get3A_343 = arith.constant 0 : index
        %get3A_344 = tpu.vector_load %arg7[%get3A_342, %get3A_343] {strides = array<i32>} : memref<320x64xf32, #tpu.memory_space<vmem>>, vector<1x16xf32>,
        %get3A_345 = vector.shape_cast %get3A_344 : vector<1x16xf32> to vector<16xf32>
        %mul3A_346 = arith.constant 8.000000e+00 : f32
        %mul3A_347 = vector.broadcast %mul3A_346 : f32 to vector<16xf32>
        %mul3A_348 = arith.mulf %get3A_345, %mul3A_347 : vector<16xf32>
        %add3A_349 = arith.constant 4 : i32
        %add3A_350 = arith.addi %mul3A_85, %add3A_349 : i32
        %swap3A_351 = arith.index_cast %add3A_350 : i32 to index
        %swap3A_352 = arith.constant 0 : index
        %swap3A_353 = tpu.vector_load %arg9[%swap3A_351, %swap3A_352] {strides = array<i32>} : memref<320x64xf32, #tpu.memory_space<vmem>>, vector<1x16xf32>,
        %swap3A_354 = vector.shape_cast %swap3A_353 : vector<1x16xf32> to vector<16xf32>
        %swap3A_355 = vector.shape_cast %mul3A_348 : vector<16xf32> to vector<1x16xf32>
        tpu.vector_store %arg9[%swap3A_351, %swap3A_352], %swap3A_355 {strides = array<i32>} : memref<320x64xf32, #tpu.memory_space<vmem>>, vector<1x16xf32>,
        %add3A_356 = arith.constant 4 : i32
        %add3A_357 = arith.addi %mul3A_85, %add3A_356 : i32
        %get3A_358 = arith.index_cast %add3A_357 : i32 to index
        %get3A_359 = arith.constant 16 : index
        %get3A_360 = tpu.vector_load %arg7[%get3A_358, %get3A_359] {strides = array<i32>} : memref<320x64xf32, #tpu.memory_space<vmem>>, vector<1x16xf32>,
        %get3A_361 = vector.shape_cast %get3A_360 : vector<1x16xf32> to vector<16xf32>
        %mul3A_362 = arith.constant 8.000000e+00 : f32
        %mul3A_363 = vector.broadcast %mul3A_362 : f32 to vector<16xf32>
        %mul3A_364 = arith.mulf %get3A_361, %mul3A_363 : vector<16xf32>
        %add3A_365 = arith.constant 4 : i32
        %add3A_366 = arith.addi %mul3A_85, %add3A_365 : i32
        %swap3A_367 = arith.index_cast %add3A_366 : i32 to index
        %swap3A_368 = arith.constant 16 : index
        %swap3A_369 = tpu.vector_load %arg9[%swap3A_367, %swap3A_368] {strides = array<i32>} : memref<320x64xf32, #tpu.memory_space<vmem>>, vector<1x16xf32>,
        %swap3A_370 = vector.shape_cast %swap3A_369 : vector<1x16xf32> to vector<16xf32>
        %swap3A_371 = vector.shape_cast %mul3A_364 : vector<16xf32> to vector<1x16xf32>
        tpu.vector_store %arg9[%swap3A_367, %swap3A_368], %swap3A_371 {strides = array<i32>} : memref<320x64xf32, #tpu.memory_space<vmem>>, vector<1x16xf32>,
        %add3A_372 = arith.constant 4 : i32
        %add3A_373 = arith.addi %mul3A_85, %add3A_372 : i32
        %get3A_374 = arith.index_cast %add3A_373 : i32 to index
        %get3A_375 = arith.constant 32 : index
        %get3A_376 = tpu.vector_load %arg7[%get3A_374, %get3A_375] {strides = array<i32>} : memref<320x64xf32, #tpu.memory_space<vmem>>, vector<1x16xf32>,
        %get3A_377 = vector.shape_cast %get3A_376 : vector<1x16xf32> to vector<16xf32>
        %mul3A_378 = arith.constant 8.000000e+00 : f32
        %mul3A_379 = vector.broadcast %mul3A_378 : f32 to vector<16xf32>
        %mul3A_380 = arith.mulf %get3A_377, %mul3A_379 : vector<16xf32>
        %add3A_381 = arith.constant 4 : i32
        %add3A_382 = arith.addi %mul3A_85, %add3A_381 : i32
        %swap3A_383 = arith.index_cast %add3A_382 : i32 to index
        %swap3A_384 = arith.constant 32 : index
        %swap3A_385 = tpu.vector_load %arg9[%swap3A_383, %swap3A_384] {strides = array<i32>} : memref<320x64xf32, #tpu.memory_space<vmem>>, vector<1x16xf32>,
        %swap3A_386 = vector.shape_cast %swap3A_385 : vector<1x16xf32> to vector<16xf32>
        %swap3A_387 = vector.shape_cast %mul3A_380 : vector<16xf32> to vector<1x16xf32>
        tpu.vector_store %arg9[%swap3A_383, %swap3A_384], %swap3A_387 {strides = array<i32>} : memref<320x64xf32, #tpu.memory_space<vmem>>, vector<1x16xf32>,
        %add3A_388 = arith.constant 4 : i32
        %add3A_389 = arith.addi %mul3A_85, %add3A_388 : i32
        %get3A_390 = arith.index_cast %add3A_389 : i32 to index
        %get3A_391 = arith.constant 48 : index
        %get3A_392 = tpu.vector_load %arg7[%get3A_390, %get3A_391] {strides = array<i32>} : memref<320x64xf32, #tpu.memory_space<vmem>>, vector<1x16xf32>,
        %get3A_393 = vector.shape_cast %get3A_392 : vector<1x16xf32> to vector<16xf32>
        %mul3A_394 = arith.constant 8.000000e+00 : f32
        %mul3A_395 = vector.broadcast %mul3A_394 : f32 to vector<16xf32>
        %mul3A_396 = arith.mulf %get3A_393, %mul3A_395 : vector<16xf32>
        %add3A_397 = arith.constant 4 : i32
        %add3A_398 = arith.addi %mul3A_85, %add3A_397 : i32
        %swap3A_399 = arith.index_cast %add3A_398 : i32 to index
        %swap3A_400 = arith.constant 48 : index
        %swap3A_401 = tpu.vector_load %arg9[%swap3A_399, %swap3A_400] {strides = array<i32>} : memref<320x64xf32, #tpu.memory_space<vmem>>, vector<1x16xf32>,
        %swap3A_402 = vector.shape_cast %swap3A_401 : vector<1x16xf32> to vector<16xf32>
        %swap3A_403 = vector.shape_cast %mul3A_396 : vector<16xf32> to vector<1x16xf32>
        tpu.vector_store %arg9[%swap3A_399, %swap3A_400], %swap3A_403 {strides = array<i32>} : memref<320x64xf32, #tpu.memory_space<vmem>>, vector<1x16xf32>,
        %add3A_404 = arith.constant 5 : i32
        %add3A_405 = arith.addi %mul3A_85, %add3A_404 : i32
        %get3A_406 = arith.index_cast %add3A_405 : i32 to index
        %get3A_407 = arith.constant 0 : index
        %get3A_408 = tpu.vector_load %arg7[%get3A_406, %get3A_407] {strides = array<i32>} : memref<320x64xf32, #tpu.memory_space<vmem>>, vector<1x16xf32>,
        %get3A_409 = vector.shape_cast %get3A_408 : vector<1x16xf32> to vector<16xf32>
        %mul3A_410 = arith.constant 8.000000e+00 : f32
        %mul3A_411 = vector.broadcast %mul3A_410 : f32 to vector<16xf32>
        %mul3A_412 = arith.mulf %get3A_409, %mul3A_411 : vector<16xf32>
        %add3A_413 = arith.constant 5 : i32
        %add3A_414 = arith.addi %mul3A_85, %add3A_413 : i32
        %swap3A_415 = arith.index_cast %add3A_414 : i32 to index
        %swap3A_416 = arith.constant 0 : index
        %swap3A_417 = tpu.vector_load %arg9[%swap3A_415, %swap3A_416] {strides = array<i32>} : memref<320x64xf32, #tpu.memory_space<vmem>>, vector<1x16xf32>,
        %swap3A_418 = vector.shape_cast %swap3A_417 : vector<1x16xf32> to vector<16xf32>
        %swap3A_419 = vector.shape_cast %mul3A_412 : vector<16xf32> to vector<1x16xf32>
        tpu.vector_store %arg9[%swap3A_415, %swap3A_416], %swap3A_419 {strides = array<i32>} : memref<320x64xf32, #tpu.memory_space<vmem>>, vector<1x16xf32>,
        %add3A_420 = arith.constant 5 : i32
        %add3A_421 = arith.addi %mul3A_85, %add3A_420 : i32
        %get3A_422 = arith.index_cast %add3A_421 : i32 to index
        %get3A_423 = arith.constant 16 : index
        %get3A_424 = tpu.vector_load %arg7[%get3A_422, %get3A_423] {strides = array<i32>} : memref<320x64xf32, #tpu.memory_space<vmem>>, vector<1x16xf32>,
        %get3A_425 = vector.shape_cast %get3A_424 : vector<1x16xf32> to vector<16xf32>
        %mul3A_426 = arith.constant 8.000000e+00 : f32
        %mul3A_427 = vector.broadcast %mul3A_426 : f32 to vector<16xf32>
        %mul3A_428 = arith.mulf %get3A_425, %mul3A_427 : vector<16xf32>
        %add3A_429 = arith.constant 5 : i32
        %add3A_430 = arith.addi %mul3A_85, %add3A_429 : i32
        %swap3A_431 = arith.index_cast %add3A_430 : i32 to index
        %swap3A_432 = arith.constant 16 : index
        %swap3A_433 = tpu.vector_load %arg9[%swap3A_431, %swap3A_432] {strides = array<i32>} : memref<320x64xf32, #tpu.memory_space<vmem>>, vector<1x16xf32>,
        %swap3A_434 = vector.shape_cast %swap3A_433 : vector<1x16xf32> to vector<16xf32>
        %swap3A_435 = vector.shape_cast %mul3A_428 : vector<16xf32> to vector<1x16xf32>
        tpu.vector_store %arg9[%swap3A_431, %swap3A_432], %swap3A_435 {strides = array<i32>} : memref<320x64xf32, #tpu.memory_space<vmem>>, vector<1x16xf32>,
        %add3A_436 = arith.constant 5 : i32
        %add3A_437 = arith.addi %mul3A_85, %add3A_436 : i32
        %get3A_438 = arith.index_cast %add3A_437 : i32 to index
        %get3A_439 = arith.constant 32 : index
        %get3A_440 = tpu.vector_load %arg7[%get3A_438, %get3A_439] {strides = array<i32>} : memref<320x64xf32, #tpu.memory_space<vmem>>, vector<1x16xf32>,
        %get3A_441 = vector.shape_cast %get3A_440 : vector<1x16xf32> to vector<16xf32>
        %mul3A_442 = arith.constant 8.000000e+00 : f32
        %mul3A_443 = vector.broadcast %mul3A_442 : f32 to vector<16xf32>
        %mul3A_444 = arith.mulf %get3A_441, %mul3A_443 : vector<16xf32>
        %add3A_445 = arith.constant 5 : i32
        %add3A_446 = arith.addi %mul3A_85, %add3A_445 : i32
        %swap3A_447 = arith.index_cast %add3A_446 : i32 to index
        %swap3A_448 = arith.constant 32 : index
        %swap3A_449 = tpu.vector_load %arg9[%swap3A_447, %swap3A_448] {strides = array<i32>} : memref<320x64xf32, #tpu.memory_space<vmem>>, vector<1x16xf32>,
        %swap3A_450 = vector.shape_cast %swap3A_449 : vector<1x16xf32> to vector<16xf32>
        %swap3A_451 = vector.shape_cast %mul3A_444 : vector<16xf32> to vector<1x16xf32>
        tpu.vector_store %arg9[%swap3A_447, %swap3A_448], %swap3A_451 {strides = array<i32>} : memref<320x64xf32, #tpu.memory_space<vmem>>, vector<1x16xf32>,
        %add3A_452 = arith.constant 5 : i32
        %add3A_453 = arith.addi %mul3A_85, %add3A_452 : i32
        %get3A_454 = arith.index_cast %add3A_453 : i32 to index
        %get3A_455 = arith.constant 48 : index
        %get3A_456 = tpu.vector_load %arg7[%get3A_454, %get3A_455] {strides = array<i32>} : memref<320x64xf32, #tpu.memory_space<vmem>>, vector<1x16xf32>,
        %get3A_457 = vector.shape_cast %get3A_456 : vector<1x16xf32> to vector<16xf32>
        %mul3A_458 = arith.constant 8.000000e+00 : f32
        %mul3A_459 = vector.broadcast %mul3A_458 : f32 to vector<16xf32>
        %mul3A_460 = arith.mulf %get3A_457, %mul3A_459 : vector<16xf32>
        %add3A_461 = arith.constant 5 : i32
        %add3A_462 = arith.addi %mul3A_85, %add3A_461 : i32
        %swap3A_463 = arith.index_cast %add3A_462 : i32 to index
        %swap3A_464 = arith.constant 48 : index
        %swap3A_465 = tpu.vector_load %arg9[%swap3A_463, %swap3A_464] {strides = array<i32>} : memref<320x64xf32, #tpu.memory_space<vmem>>, vector<1x16xf32>,
        %swap3A_466 = vector.shape_cast %swap3A_465 : vector<1x16xf32> to vector<16xf32>
        %swap3A_467 = vector.shape_cast %mul3A_460 : vector<16xf32> to vector<1x16xf32>
        tpu.vector_store %arg9[%swap3A_463, %swap3A_464], %swap3A_467 {strides = array<i32>} : memref<320x64xf32, #tpu.memory_space<vmem>>, vector<1x16xf32>,
        %add3A_468 = arith.constant 6 : i32
        %add3A_469 = arith.addi %mul3A_85, %add3A_468 : i32
        %get3A_470 = arith.index_cast %add3A_469 : i32 to index
        %get3A_471 = arith.constant 0 : index
        %get3A_472 = tpu.vector_load %arg7[%get3A_470, %get3A_471] {strides = array<i32>} : memref<320x64xf32, #tpu.memory_space<vmem>>, vector<1x16xf32>,
        %get3A_473 = vector.shape_cast %get3A_472 : vector<1x16xf32> to vector<16xf32>
        %mul3A_474 = arith.constant 8.000000e+00 : f32
        %mul3A_475 = vector.broadcast %mul3A_474 : f32 to vector<16xf32>
        %mul3A_476 = arith.mulf %get3A_473, %mul3A_475 : vector<16xf32>
        %add3A_477 = arith.constant 6 : i32
        %add3A_478 = arith.addi %mul3A_85, %add3A_477 : i32
        %swap3A_479 = arith.index_cast %add3A_478 : i32 to index
        %swap3A_480 = arith.constant 0 : index
        %swap3A_481 = tpu.vector_load %arg9[%swap3A_479, %swap3A_480] {strides = array<i32>} : memref<320x64xf32, #tpu.memory_space<vmem>>, vector<1x16xf32>,
        %swap3A_482 = vector.shape_cast %swap3A_481 : vector<1x16xf32> to vector<16xf32>
        %swap3A_483 = vector.shape_cast %mul3A_476 : vector<16xf32> to vector<1x16xf32>
        tpu.vector_store %arg9[%swap3A_479, %swap3A_480], %swap3A_483 {strides = array<i32>} : memref<320x64xf32, #tpu.memory_space<vmem>>, vector<1x16xf32>,
        %add3A_484 = arith.constant 6 : i32
        %add3A_485 = arith.addi %mul3A_85, %add3A_484 : i32
        %get3A_486 = arith.index_cast %add3A_485 : i32 to index
        %get3A_487 = arith.constant 16 : index
        %get3A_488 = tpu.vector_load %arg7[%get3A_486, %get3A_487] {strides = array<i32>} : memref<320x64xf32, #tpu.memory_space<vmem>>, vector<1x16xf32>,
        %get3A_489 = vector.shape_cast %get3A_488 : vector<1x16xf32> to vector<16xf32>
        %mul3A_490 = arith.constant 8.000000e+00 : f32
        %mul3A_491 = vector.broadcast %mul3A_490 : f32 to vector<16xf32>
        %mul3A_492 = arith.mulf %get3A_489, %mul3A_491 : vector<16xf32>
        %add3A_493 = arith.constant 6 : i32
        %add3A_494 = arith.addi %mul3A_85, %add3A_493 : i32
        %swap3A_495 = arith.index_cast %add3A_494 : i32 to index
        %swap3A_496 = arith.constant 16 : index
        %swap3A_497 = tpu.vector_load %arg9[%swap3A_495, %swap3A_496] {strides = array<i32>} : memref<320x64xf32, #tpu.memory_space<vmem>>, vector<1x16xf32>,
        %swap3A_498 = vector.shape_cast %swap3A_497 : vector<1x16xf32> to vector<16xf32>
        %swap3A_499 = vector.shape_cast %mul3A_492 : vector<16xf32> to vector<1x16xf32>
        tpu.vector_store %arg9[%swap3A_495, %swap3A_496], %swap3A_499 {strides = array<i32>} : memref<320x64xf32, #tpu.memory_space<vmem>>, vector<1x16xf32>,
        %add3A_500 = arith.constant 6 : i32
        %add3A_501 = arith.addi %mul3A_85, %add3A_500 : i32
        %get3A_502 = arith.index_cast %add3A_501 : i32 to index
        %get3A_503 = arith.constant 32 : index
        %get3A_504 = tpu.vector_load %arg7[%get3A_502, %get3A_503] {strides = array<i32>} : memref<320x64xf32, #tpu.memory_space<vmem>>, vector<1x16xf32>,
        %get3A_505 = vector.shape_cast %get3A_504 : vector<1x16xf32> to vector<16xf32>
        %mul3A_506 = arith.constant 8.000000e+00 : f32
        %mul3A_507 = vector.broadcast %mul3A_506 : f32 to vector<16xf32>
        %mul3A_508 = arith.mulf %get3A_505, %mul3A_507 : vector<16xf32>
        %add3A_509 = arith.constant 6 : i32
        %add3A_510 = arith.addi %mul3A_85, %add3A_509 : i32
        %swap3A_511 = arith.index_cast %add3A_510 : i32 to index
        %swap3A_512 = arith.constant 32 : index
        %swap3A_513 = tpu.vector_load %arg9[%swap3A_511, %swap3A_512] {strides = array<i32>} : memref<320x64xf32, #tpu.memory_space<vmem>>, vector<1x16xf32>,
        %swap3A_514 = vector.shape_cast %swap3A_513 : vector<1x16xf32> to vector<16xf32>
        %swap3A_515 = vector.shape_cast %mul3A_508 : vector<16xf32> to vector<1x16xf32>
        tpu.vector_store %arg9[%swap3A_511, %swap3A_512], %swap3A_515 {strides = array<i32>} : memref<320x64xf32, #tpu.memory_space<vmem>>, vector<1x16xf32>,
        %add3A_516 = arith.constant 6 : i32
        %add3A_517 = arith.addi %mul3A_85, %add3A_516 : i32
        %get3A_518 = arith.index_cast %add3A_517 : i32 to index
        %get3A_519 = arith.constant 48 : index
        %get3A_520 = tpu.vector_load %arg7[%get3A_518, %get3A_519] {strides = array<i32>} : memref<320x64xf32, #tpu.memory_space<vmem>>, vector<1x16xf32>,
        %get3A_521 = vector.shape_cast %get3A_520 : vector<1x16xf32> to vector<16xf32>
        %mul3A_522 = arith.constant 8.000000e+00 : f32
        %mul3A_523 = vector.broadcast %mul3A_522 : f32 to vector<16xf32>
        %mul3A_524 = arith.mulf %get3A_521, %mul3A_523 : vector<16xf32>
        %add3A_525 = arith.constant 6 : i32
        %add3A_526 = arith.addi %mul3A_85, %add3A_525 : i32
        %swap3A_527 = arith.index_cast %add3A_526 : i32 to index
        %swap3A_528 = arith.constant 48 : index
        %swap3A_529 = tpu.vector_load %arg9[%swap3A_527, %swap3A_528] {strides = array<i32>} : memref<320x64xf32, #tpu.memory_space<vmem>>, vector<1x16xf32>,
        %swap3A_530 = vector.shape_cast %swap3A_529 : vector<1x16xf32> to vector<16xf32>
        %swap3A_531 = vector.shape_cast %mul3A_524 : vector<16xf32> to vector<1x16xf32>
        tpu.vector_store %arg9[%swap3A_527, %swap3A_528], %swap3A_531 {strides = array<i32>} : memref<320x64xf32, #tpu.memory_space<vmem>>, vector<1x16xf32>,
        %add3A_532 = arith.constant 7 : i32
        %add3A_533 = arith.addi %mul3A_85, %add3A_532 : i32
        %get3A_534 = arith.index_cast %add3A_533 : i32 to index
        %get3A_535 = arith.constant 0 : index
        %get3A_536 = tpu.vector_load %arg7[%get3A_534, %get3A_535] {strides = array<i32>} : memref<320x64xf32, #tpu.memory_space<vmem>>, vector<1x16xf32>,
        %get3A_537 = vector.shape_cast %get3A_536 : vector<1x16xf32> to vector<16xf32>
        %mul3A_538 = arith.constant 8.000000e+00 : f32
        %mul3A_539 = vector.broadcast %mul3A_538 : f32 to vector<16xf32>
        %mul3A_540 = arith.mulf %get3A_537, %mul3A_539 : vector<16xf32>
        %add3A_541 = arith.constant 7 : i32
        %add3A_542 = arith.addi %mul3A_85, %add3A_541 : i32
        %swap3A_543 = arith.index_cast %add3A_542 : i32 to index
        %swap3A_544 = arith.constant 0 : index
        %swap3A_545 = tpu.vector_load %arg9[%swap3A_543, %swap3A_544] {strides = array<i32>} : memref<320x64xf32, #tpu.memory_space<vmem>>, vector<1x16xf32>,
        %swap3A_546 = vector.shape_cast %swap3A_545 : vector<1x16xf32> to vector<16xf32>
        %swap3A_547 = vector.shape_cast %mul3A_540 : vector<16xf32> to vector<1x16xf32>
        tpu.vector_store %arg9[%swap3A_543, %swap3A_544], %swap3A_547 {strides = array<i32>} : memref<320x64xf32, #tpu.memory_space<vmem>>, vector<1x16xf32>,
        %add3A_548 = arith.constant 7 : i32
        %add3A_549 = arith.addi %mul3A_85, %add3A_548 : i32
        %get3A_550 = arith.index_cast %add3A_549 : i32 to index
        %get3A_551 = arith.constant 16 : index
        %get3A_552 = tpu.vector_load %arg7[%get3A_550, %get3A_551] {strides = array<i32>} : memref<320x64xf32, #tpu.memory_space<vmem>>, vector<1x16xf32>,
        %get3A_553 = vector.shape_cast %get3A_552 : vector<1x16xf32> to vector<16xf32>
        %mul3A_554 = arith.constant 8.000000e+00 : f32
        %mul3A_555 = vector.broadcast %mul3A_554 : f32 to vector<16xf32>
        %mul3A_556 = arith.mulf %get3A_553, %mul3A_555 : vector<16xf32>
        %add3A_557 = arith.constant 7 : i32
        %add3A_558 = arith.addi %mul3A_85, %add3A_557 : i32
        %swap3A_559 = arith.index_cast %add3A_558 : i32 to index
        %swap3A_560 = arith.constant 16 : index
        %swap3A_561 = tpu.vector_load %arg9[%swap3A_559, %swap3A_560] {strides = array<i32>} : memref<320x64xf32, #tpu.memory_space<vmem>>, vector<1x16xf32>,
        %swap3A_562 = vector.shape_cast %swap3A_561 : vector<1x16xf32> to vector<16xf32>
        %swap3A_563 = vector.shape_cast %mul3A_556 : vector<16xf32> to vector<1x16xf32>
        tpu.vector_store %arg9[%swap3A_559, %swap3A_560], %swap3A_563 {strides = array<i32>} : memref<320x64xf32, #tpu.memory_space<vmem>>, vector<1x16xf32>,
        %add3A_564 = arith.constant 7 : i32
        %add3A_565 = arith.addi %mul3A_85, %add3A_564 : i32
        %get3A_566 = arith.index_cast %add3A_565 : i32 to index
        %get3A_567 = arith.constant 32 : index
        %get3A_568 = tpu.vector_load %arg7[%get3A_566, %get3A_567] {strides = array<i32>} : memref<320x64xf32, #tpu.memory_space<vmem>>, vector<1x16xf32>,
        %get3A_569 = vector.shape_cast %get3A_568 : vector<1x16xf32> to vector<16xf32>
        %mul3A_570 = arith.constant 8.000000e+00 : f32
        %mul3A_571 = vector.broadcast %mul3A_570 : f32 to vector<16xf32>
        %mul3A_572 = arith.mulf %get3A_569, %mul3A_571 : vector<16xf32>
        %add3A_573 = arith.constant 7 : i32
        %add3A_574 = arith.addi %mul3A_85, %add3A_573 : i32
        %swap3A_575 = arith.index_cast %add3A_574 : i32 to index
        %swap3A_576 = arith.constant 32 : index
        %swap3A_577 = tpu.vector_load %arg9[%swap3A_575, %swap3A_576] {strides = array<i32>} : memref<320x64xf32, #tpu.memory_space<vmem>>, vector<1x16xf32>,
        %swap3A_578 = vector.shape_cast %swap3A_577 : vector<1x16xf32> to vector<16xf32>
        %swap3A_579 = vector.shape_cast %mul3A_572 : vector<16xf32> to vector<1x16xf32>
        tpu.vector_store %arg9[%swap3A_575, %swap3A_576], %swap3A_579 {strides = array<i32>} : memref<320x64xf32, #tpu.memory_space<vmem>>, vector<1x16xf32>,
        %add3A_580 = arith.constant 7 : i32
        %add3A_581 = arith.addi %mul3A_85, %add3A_580 : i32
        %get3A_582 = arith.index_cast %add3A_581 : i32 to index
        %get3A_583 = arith.constant 48 : index
        %get3A_584 = tpu.vector_load %arg7[%get3A_582, %get3A_583] {strides = array<i32>} : memref<320x64xf32, #tpu.memory_space<vmem>>, vector<1x16xf32>,
        %get3A_585 = vector.shape_cast %get3A_584 : vector<1x16xf32> to vector<16xf32>
        %mul3A_586 = arith.constant 8.000000e+00 : f32
        %mul3A_587 = vector.broadcast %mul3A_586 : f32 to vector<16xf32>
        %mul3A_588 = arith.mulf %get3A_585, %mul3A_587 : vector<16xf32>
        %add3A_589 = arith.constant 7 : i32
        %add3A_590 = arith.addi %mul3A_85, %add3A_589 : i32
        %swap3A_591 = arith.index_cast %add3A_590 : i32 to index
        %swap3A_592 = arith.constant 48 : index
        %swap3A_593 = tpu.vector_load %arg9[%swap3A_591, %swap3A_592] {strides = array<i32>} : memref<320x64xf32, #tpu.memory_space<vmem>>, vector<1x16xf32>,
        %swap3A_594 = vector.shape_cast %swap3A_593 : vector<1x16xf32> to vector<16xf32>
        %swap3A_595 = vector.shape_cast %mul3A_588 : vector<16xf32> to vector<1x16xf32>
        tpu.vector_store %arg9[%swap3A_591, %swap3A_592], %swap3A_595 {strides = array<i32>} : memref<320x64xf32, #tpu.memory_space<vmem>>, vector<1x16xf32>,
      }
      %scan3A_72 = arith.constant 40 : i32
      %lt3A_73 = arith.constant 39 : i32
      %lt3A_74 = arith.cmpi slt, %scan3A_24, %lt3A_73 : i32
      %convert_element_type3A_75 = arith.extui %lt3A_74 : i1 to i32
      %cond3A_76 = arith.constant 0 : i32
      %cond3A_77 = arith.cmpi ne, %convert_element_type3A_75, %cond3A_76 : i32
      scf.if %cond3A_77 {
        %add3A_83 = arith.constant 640 : i32
        %add3A_84 = arith.addi %mul3A_57, %add3A_83 : i32
        %dma_start3A_85 = tpu.memref_slice %arg5[%add3A_84] : memref<25600xi32, #tpu.memory_space<vmem>> -> memref<320xi32, #tpu.memory_space<vmem>>
        %dma_start3A_86 = arith.constant 0 : i32
        %dma_start3A_87 = arith.constant 0 : i32
        %dma_start3A_88 = tpu.memref_slice %arg3[%dma_start3A_86, %dma_start3A_87] : memref<1000000x64xf32, #tpu.memory_space<hbm>> -> memref<1000000x64xf32, #tpu.memory_space<hbm>>
        tpu.enqueue_indirect_dma source(%dma_start3A_88 : memref<1000000x64xf32, #tpu.memory_space<hbm>>) target(%arg7 : memref<320x64xf32, #tpu.memory_space<vmem>>) offsets(%dma_start3A_85 : memref<320xi32, #tpu.memory_space<vmem>>) semaphore(%arg11 : memref<!tpu.dma_semaphore, #tpu.memory_space<semaphore_mem>>)
      } else {
      }
      %add3A_78 = arith.addi %mul3A_2, %mul3A_57 : i32
      %dma_start3A_79 = arith.constant 0 : i32
      %dma_start3A_80 = tpu.memref_slice %arg4[%add3A_78, %dma_start3A_79] : memref<819200x64xf32, #tpu.memory_space<hbm>> -> memref<320x64xf32, #tpu.memory_space<hbm>>
      %dma_start3A_81 = arith.constant 0 : i32
      %dma_start3A_82 = tpu.memref_slice %arg4[%add3A_78, %dma_start3A_81] : memref<819200x64xf32, #tpu.memory_space<hbm>> -> memref<320x64xf32, #tpu.memory_space<hbm>>
      tpu.enqueue_dma source(%arg9 : memref<320x64xf32, #tpu.memory_space<vmem>>) target(%dma_start3A_82 : memref<320x64xf32, #tpu.memory_space<hbm>>) target_semaphore(%arg13 : memref<!tpu.dma_semaphore, #tpu.memory_space<semaphore_mem>>)
    }
    %scan3A_16 = arith.constant 40 : i32
    %dma_wait3A = arith.constant 0 : i32
    %dma_wait3A_17 = tpu.memref_slice %arg4[%mul3A_2, %dma_wait3A] : memref<819200x64xf32, #tpu.memory_space<hbm>> -> memref<320x64xf32, #tpu.memory_space<hbm>>
    %dma_wait3A_18 = arith.constant 0 : i32
    %dma_wait3A_19 = tpu.memref_slice %arg4[%mul3A_2, %dma_wait3A_18] : memref<819200x64xf32, #tpu.memory_space<hbm>> -> memref<320x64xf32, #tpu.memory_space<hbm>>
    tpu.wait_dma2 semaphore(%arg12 : memref<!tpu.dma_semaphore, #tpu.memory_space<semaphore_mem>>) src(%arg8 : memref<320x64xf32, #tpu.memory_space<vmem>>) dst(%dma_wait3A_19 : memref<320x64xf32, #tpu.memory_space<hbm>>)
    %dma_wait3A_20 = arith.constant 0 : i32
    %dma_wait3A_21 = tpu.memref_slice %arg4[%mul3A_2, %dma_wait3A_20] : memref<819200x64xf32, #tpu.memory_space<hbm>> -> memref<320x64xf32, #tpu.memory_space<hbm>>
    %dma_wait3A_22 = arith.constant 0 : i32
    %dma_wait3A_23 = tpu.memref_slice %arg4[%mul3A_2, %dma_wait3A_22] : memref<819200x64xf32, #tpu.memory_space<hbm>> -> memref<320x64xf32, #tpu.memory_space<hbm>>
    tpu.wait_dma2 semaphore(%arg13 : memref<!tpu.dma_semaphore, #tpu.memory_space<semaphore_mem>>) src(%arg9 : memref<320x64xf32, #tpu.memory_space<vmem>>) dst(%dma_wait3A_23 : memref<320x64xf32, #tpu.memory_space<hbm>>)
    return
  }
}

</mosaic_0001>

<sc_bundles>
// kernel: kernel.3.cloned.1.call-start
scs
__scs_entry_jumppad:
0x0: {  	(pc) =	sbr.rel $0x88, $3  }
0x1: {  	(tag) =	ssettag $0x0;
	lr =	simm.s32 $0x1  }
0x2: {  	[smem:$0x3F9F] =	sst lr;
	_ =	strace $0xD0000000  }
0x3: {  	_ = 	snop  }
0x4: {  	_ = 	snop  }
0x5: {  	_ = 	snop  }
0x6: {  	_ = 	snop  }
0x7: {  	_ = 	snop  }
__scs_overlays_trampoline_lowered:
0x8: {  	[smem:$0x3FAE] =	sst s0  }
0x9: {  	[smem:$0x3FAF] =	sst s1  }
0xa: {  	[smem:$0x3FB0] =	sst s2  }
0xb: {  	[smem:$0x3FB1] =	sst s3  }
0xc: {  	[smem:$0x3FB2] =	sst s4  }
0xd: {  	[smem:$0x3FB3] =	sst s5  }
0xe: {  	[smem:$0x3FB4] =	sst s6  }
0xf: {  	[smem:$0x3FB5] =	sst s7  }
0x10: {  	[smem:$0x3FB6] =	sst s8  }
0x11: {  	[smem:$0x3FB7] =	sst s9;
	s0 =	simm.s32 @!p0 $0x0  }
0x12: {  	s1 =	sld [smem:$0x3F9D];
	s0 =	simm.s32 @p0 $0x1  }
0x13: {  	[smem:$0x3FB8] =	sst s0;
	s0 =	simm.s32 @!p1 $0x0  }
0x14: {  	s2 =	sld [smem:$0x3F9C];
	s0 =	simm.s32 @p1 $0x1  }
0x15: {  	[smem:$0x3FB9] =	sst s0;
	s0 =	simm.s32 @!p2 $0x0  }
0x16: {  	s3 =	sld [smem:$0x3FDB];
	s0 =	simm.s32 @p2 $0x1  }
0x17: {  	s4 =	simm.s32 $0x1BF5;
	[smem:$0x3FBB] =	sst s0  }
0x18: {  	s0 =	sld [smem:$0x3F9E];
	_ =	swait.ge [sflag:s4], $0x0  }
0x19: {  	s7 =	sld [smem:$0x3F9F]  }
0x1a: {  	s8 =	sadd.s32 $0xFFFFE003, lr  }
0x1b: {  	s9 =	sadd.s32 $0xFFFFFEF7, lr;
	s5 =	simm.s32 $0xFFFFFFFF;
	p2 =	slt.u32 s8, $0xFFFFF086  }
0x1c: {  	p1 =	slt.u32 s9, $0xF7A;
	s5 =	simm.s32 @!p2 $0x0  }
0x1d: {  	s5 =	simm.s32 @p1 $0x1;
	p0 =	seq.s32 s7, s2  }
0x1e: {  	s7 =	smul.u32 @!p0 $0xF7A, s2;
	p2 =	seq.s32 @!p0 s5, $0x0  }
0x1f: {  	s9 =	smul.u32 $0xF7A, s1;
	s8 =	simm.s32 @!p0 $0x1BF5;
	p2 =	por !p2, p0  }
0x20: {  	[sflag:s8] =	ssyncset.s32 @!p0 $0xFFFFF086;
	s6 =	sadd.s32 @!p0 s3, s7;
	s7 =	simm.s32 @!p0 $0x108  }
0x21: {  	s3 =	sadd.s32 s3, s9;
	s6 =	sadd.s32 @!p0 $0x88, s6;
	s7 =	simm.s32 @p2 $0x1082  }
0x22: {  	[simem:s7], [sflag:s8] =	dma.local @!p0 [hbm:s6], $0xF7A  }
0x23: {  	s9 =	sor.u32 $0xD0000000, s2;
	s6 =	simm.s32 $0x108;
	_ =	swait.ge @!p0 [sflag:s8], $0x0  }
0x24: {  	s3 =	sadd.s32 $0x88, s3;
	s6 =	simm.s32 @!p1 $0x1082;
	[sflag:s4] =	ssyncset.s32 $0xFFFFF086  }
0x25: {  	[simem:s6], [sflag:s4] =	dma.local [hbm:s3], $0xF7A  }
0x26: {  	[smem:$0x3F9F] =	sst s1;
	(tag) =	ssettag s2;
	_ =	strace s9  }
0x27: {  	s1 =	sld [smem:$0x3FAF]  }
0x28: {  	s2 =	sld [smem:$0x3FB0]  }
0x29: {  	s4 =	sld [smem:$0x3FB2]  }
0x2a: {  	p0 =	seq.s32 s5, $0x0;
	s5 =	sld [smem:$0x3FB3]  }
0x2b: {  	s6 =	sld [smem:$0x3FB4]  }
0x2c: {  	s7 =	sld [smem:$0x3FB5]  }
0x2d: {  	s3 =	simm.s32 $0x108;
	s8 =	sld [smem:$0x3FB6]  }
0x2e: {  	s3 =	simm.s32 @!p0 $0x1082;
	s9 =	sld [smem:$0x3FB7]  }
0x2f: {  	lr =	sadd.s32 s0, s3;
	s0 =	sld [smem:$0x3FAE]  }
0x30: {  	s3 =	sld [smem:$0x3FB1]  }
0x31: {  	[smem:$0x3FBA] =	sst s10  }
0x32: {  	s10 =	sld [smem:$0x3FB8];
	_ =	sdelay $0x3  }
0x33: {  	p0 =	seq.s32 s10, $0x1;
	s10 =	sld [smem:$0x3FBA];
	_ =	sdelay $0x3  }
0x34: {  	[smem:$0x3FBA] =	sst s10  }
0x35: {  	s10 =	sld [smem:$0x3FB9];
	_ =	sdelay $0x3  }
0x36: {  	p1 =	seq.s32 s10, $0x1;
	s10 =	sld [smem:$0x3FBA];
	_ =	sdelay $0x3  }
0x37: {  	[smem:$0x3FBA] =	sst s10  }
0x38: {  	s10 =	sld [smem:$0x3FBB]  }
0x39: {  	_ = 	snop;
	(pc) =	sbr.ind lr, $3  }
0x3a: {  	_ = 	snop  }
0x3b: {  	_ = 	snop  }
0x3c: {  	p2 =	seq.s32 s10, $0x1;
	s10 =	sld [smem:$0x3FBA]  }
0x3d: {  	_ =	shalt  }
0x3e: {  	_ =	shalt  }
0x3f: {  	_ =	shalt  }
0x40: {  	_ =	shalt  }
0x41: {  	_ =	shalt  }
0x42: {  	_ =	shalt  }
0x43: {  	_ =	shalt  }
0x44: {  	_ =	shalt  }
0x45: {  	_ =	shalt  }
0x46: {  	_ =	shalt  }
0x47: {  	_ =	shalt  }
0x48: {  	_ =	shalt  }
0x49: {  	_ =	shalt  }
0x4a: {  	_ =	shalt  }
0x4b: {  	_ =	shalt  }
0x4c: {  	_ =	shalt  }
0x4d: {  	_ =	shalt  }
0x4e: {  	_ =	shalt  }
0x4f: {  	_ =	shalt  }
0x50: {  	_ =	shalt  }
0x51: {  	_ =	shalt  }
0x52: {  	_ =	shalt  }
0x53: {  	_ =	shalt  }
0x54: {  	_ =	shalt  }
0x55: {  	_ =	shalt  }
0x56: {  	_ =	shalt  }
0x57: {  	_ =	shalt  }
0x58: {  	_ =	shalt  }
0x59: {  	_ =	shalt  }
0x5a: {  	_ =	shalt  }
0x5b: {  	_ =	shalt  }
0x5c: {  	_ =	shalt  }
0x5d: {  	_ =	shalt  }
0x5e: {  	_ =	shalt  }
0x5f: {  	_ =	shalt  }
0x60: {  	_ =	shalt  }
0x61: {  	_ =	shalt  }
0x62: {  	_ =	shalt  }
0x63: {  	_ =	shalt  }
0x64: {  	_ =	shalt  }
0x65: {  	_ =	shalt  }
0x66: {  	_ =	shalt  }
0x67: {  	_ =	shalt  }
0x68: {  	_ =	shalt  }
0x69: {  	_ =	shalt  }
0x6a: {  	_ =	shalt  }
0x6b: {  	_ =	shalt  }
0x6c: {  	_ =	shalt  }
0x6d: {  	_ =	shalt  }
0x6e: {  	_ =	shalt  }
0x6f: {  	_ =	shalt  }
0x70: {  	_ =	shalt  }
0x71: {  	_ =	shalt  }
0x72: {  	_ =	shalt  }
0x73: {  	_ =	shalt  }
0x74: {  	_ =	shalt  }
0x75: {  	_ =	shalt  }
0x76: {  	_ =	shalt  }
0x77: {  	_ =	shalt  }
0x78: {  	_ =	shalt  }
0x79: {  	_ =	shalt  }
0x7a: {  	_ =	shalt  }
0x7b: {  	_ =	shalt  }
0x7c: {  	_ =	shalt  }
0x7d: {  	_ =	shalt  }
0x7e: {  	_ =	shalt  }
0x7f: {  	_ =	shalt  }
0x80: {  	_ =	shalt  }
0x81: {  	_ =	shalt  }
0x82: {  	_ =	shalt  }
0x83: {  	_ =	shalt  }
0x84: {  	_ =	shalt  }
0x85: {  	_ =	shalt  }
0x86: {  	_ =	shalt  }
0x87: {  	_ =	shalt  }
.Lfunc_end0:
.L_simem_size_0:
called_computation.1_lowered:
.L_overlay_start_0:
0x88: {  	s2 =	sld [smem:$0x3FD9]  }
0x89: {  	s3 =	sld [smem:$0x3FFE];
	_ =	sdelay $0x1  }
0x8a: {  	s1 =	srdreg.scid  }
0x8b: {  	s0 =	sand.u32 $0x1, s1  }
0x8c: {  	s17 =	sshll.u32 s0, $0xA;
	s2 =	sadd.s32 s3, s2  }
0x8d: {  	s2 =	sadd.s32 s2, s17  }
0x8e: {  	[smem:$0x3FC6] =	sst s2  }
0x8f: {  	_ = 	snop  }
0x90: {  	s2 =	sld [smem:$0x3FD0];
	(tm) =	ssettm $0x1  }
0x91: {  	s18 =	sld [smem:$0x3FFB];
	_ =	sdelay $0x3  }
0x92: {  	_ =	strace s18  }
0x93: {  	s3 =	sld [smem:$0x3FFC];
	_ =	sdelay $0x3  }
0x94: {  	_ =	strace s3  }
0x95: {  	s3 =	sld [smem:$0x3FFD];
	_ =	sdelay $0x3  }
0x96: {  	_ =	strace s3  }
0x97: {  	_ =	strace $0x8FFFFFFF  }
0x98: {  	s19 =	sld [smem:$0x3FDB];
	_ =	sdelay $0x1  }
0x99: {  	s4 =	simm.s32 $_scs_section_size  }
0x9a: {  	s5 =	simm.s32 $_size__tile_overlayer_lowered;
	s6 =	simm.s32 $_tile_overlayer_lowered  }
0x9b: {  	s22 =	simm.s32 $0x1BFF;
	s21 =	sshll.u32 s6, $0x1;
	s3 =	sadd.s32 s4, s19  }
0x9c: {  	s7 =	simm.s32 $0x0;
	s20 =	sshll.u32 s5, $0x1;
	s5 =	sadd.s32 s21, s3  }
0x9d: {  	[timem:s7], [sflag:s22] =	dma.local [hbm:s5], s20  }
0x9e: {  	_ =	swait.ge [sflag:s22], s20  }
0x9f: {  	s4 =	ssub.s32 $0x0, s20;
	[sflag:s22] =	ssyncset.done $0x0  }
0xa0: {  	[sflag:s22] =	ssyncadd.s32 s4;
	_ =	sdelay $0x1  }
0xa1: {  	s23 =	simm.s32 $0x1B8B  }
0xa2: {  	_ =	swait.ge [sflag:s23], $0x1  }
0xa3: {  	[sflag:s23] =	ssyncset.done $0x0  }
0xa4: {  	s25 =	simm.s32 $0x1B8E;
	s24 =	sld [smem:$0x3FFE];
	[sflag:s23] =	ssyncadd.s32 $0xFFFFFFFF  }
0xa5: {  	s26 =	simm.s32 $execute0_lowered;
	[smem:$0x3FD2] =	sst s25  }
0xa6: {  	s5 =	sshll.u32 s26, $0x1;
	_ =	strace $0x80000046;
	[dreg:$0x1] =	wrdreg $0xFFFFFFFF  }
0xa7: {  	s28 =	simm.s32 $_size_execute0_lowered;
	s3 =	sadd.s32 s3, s5;
	[dreg:$0x0] =	wrdreg $0x0  }
0xa8: {  	s5 =	sshll.u32 s28, $0x1;
	[dreg:$0x2] =	wrdreg s3  }
0xa9: {  	[dreg:$0x3] =	wrdreg s5  }
0xaa: {  	[dreg:$0x4] =	wrdreg $0xC0  }
0xab: {  	_ =	task [dreg:s7], $0x5FFFF  }
0xac: {  	[dreg:$0x1] =	wrdreg $0xFFFFFFFF  }
0xad: {  	[dreg:$0x0] =	wrdreg $0x60  }
0xae: {  	[dreg:$0x2] =	wrdreg s24  }
0xaf: {  	[dreg:$0x3] =	wrdreg s2  }
0xb0: {  	[dreg:$0x4] =	wrdreg $0x9  }
0xb1: {  	_ =	task.clear_ibuf [dreg:s7], $0x5FFFF;
	_ =	strace $0x90000046  }
0xb2: {  	s29 =	simm.s32 $0x9;
	_ =	strace $0x80000048  }
0xb3: {  	_ =	swait.ge [sflag:s29], $0x1  }
0xb4: {  	[sflag:s29] =	ssyncadd.s32 $0xFFFFFFFF  }
0xb5: {  	_ =	strace $0x90000048  }
0xb6: {  	_ =	sfence  }
0xb7: {  	s30 =	sld [smem:$0x0];
	_ =	sdelay $0x2  }
0xb8: {  	s31 =	sshll.u32 s1, $0xD;
	s1 =	sshrl.u32 s1, $0x2  }
0xb9: {  	s3 =	sand.u32 $0x4000, s31;
	s1 =	sadd.s32 s1, s30  }
0xba: {  	s0 =	sor.u32 s3, s0;
	s1 =	sshll.u32 s1, $0x11  }
0xbb: {  	s0 =	sor.u32 s1, s0  }
0xbc: {  	s0 =	sadd.s32 $0x8F2B, s0  }
0xbd: {  	[sflag:s0] =	ssyncadd.remote.s32 $0x1  }
0xbe: {  	_ =	sfence.sel $0xFFFF  }
0xbf: {  	[dreg:$0x0] =	wrdreg $0xFFFFFFFF;
	(pc) =	sbr.abs _section_cstart, $3  }
0xc0: {  	[dreg:$0x1] =	wrdreg $0xFFFFFFFF  }
0xc1: {  	_ =	task.clear_ibuf [dreg:s7], $0x2FFFF;
	_ =	strace $0x9FFFFFFF  }
0xc2: {  	(tm) =	ssettm $0x7FFFFFFF  }
0xc3: {  	_ =	shalt  }
tec
execute0_lowered:
.L_overlay_start_1:
0x0: {  	(tag) =	ssettag $0x1  }
0x1: {  	s1 =	srdreg.scid;
	s5 =	rddreg [dreg:$0x0]  }
0x2: {  	s0 =	stileid.u32;
	s2 =	rddreg [dreg:$0x1];
	s3 =	simm.s32 $0x0  }
0x3: {  	s9 =	simm.s32 $0x5;
	s10 =	simm.s32 $0x140;
	s11 =	simm.s32 $0x6400  }
0x4: {  	s12 =	simm.s32 $0xB400;
	s13 =	simm.s32 $0x1;
	s14 =	simm.s32 $0x10400  }
0x5: {  	s15 =	simm.s32 $0x2;
	s6 =	sand.u32 $0x1, s1;
	s31 =	sshll.u32 s0, $0x1  }
0x6: {  	s16 =	simm.s32 $0x15400;
	s17 =	simm.s32 $0x3;
	s4 =	sor.u32 s6, s31  }
0x7: {  	s18 =	simm.s32 $0x4;
	s6 =	ssub.s32 $0x2, s6;
	s4 =	smul.u32 $0x6400, s4  }
0x8: {  	s19 =	simm.s32 $0x0;
	s1 =	rddreg [dreg:$0x2];
	s8 =	sshrl.u32 s6, $0x1  }
0x9: {  	[smem:$0x7FF] =	sst s3;
	s8 =	ssub.s32 s6, s8;
	s7 =	sshrl.u32 s4, $0x3  }
0xa: {  	_ =	strace $0x80000047;
	s8 =	smax.u32 s8, $0x1;
	s7 =	sadd.s32 s7, s5  }
0xb: {  	s5 =	sadd.s32 $0xF42E00, s5;
	s6 =	sadd.s32 $0xA00, s7;
	s7 =	sor.u32 $0x140, s4  }
.LBB2_1:
0xc: {  	[tilespmem:s3], [sflag:$0x5] =	stream.linear.gather [hbm4b:s6+s3], $0x6400, $0x38;
	[tilespmem:$0x1A400] =	vst v63  }
0xd: {  	_ =	swait.ge [sflag:s9], $0x6400  }
0xe: {  	[sflag:s9] =	ssyncset.done $0x0  }
0xf: {  	[sflag:s9] =	ssyncadd.s32 $0xFFFF9C00  }
0x10: {  	[tilespmem:s11], [sflag:$0x1] =	stream.indirect.gather [hbm4b:s5+s10], $0x40, s3, s10, $0xb8;
	[tilespmem:$0x1A400] =	vst v63  }
0x11: {  	s20 =	simm.s32 $0x0  }
0x12: {  	[tilespmem:s12], [sflag:$0x2] =	stream.indirect.gather [hbm4b:s5+s10], $0x40, s10, s10, $0xb8;
	[tilespmem:$0x1A400] =	vst v63  }
.LBB2_2:
0x13: {  	_ =	swait.ge [sflag:s13], $0x5000  }
0x14: {  	p0 =	seq.s32 s20, $0x0;
	[sflag:s13] =	ssyncset.done $0x0  }
0x15: {  	s21 =	simm.s32 @!p0 $0x3;
	[sflag:s13] =	ssyncadd.s32 $0xFFFFB000  }
0x16: {  	_ =	swait.ge @!p0 [sflag:s21], $0x5000  }
0x17: {  	[sflag:s21] =	ssyncset.done @!p0 $0x0  }
0x18: {  	s22 =	simm.s32 $0x0;
	[sflag:s21] =	ssyncadd.s32 @!p0 $0xFFFFB000  }
0x19: {  	v0 =	vld [tilespmem:s22+$0x65F0]  }
0x1a: {  	v1 =	vld [tilespmem:s22+$0x6400];
	_ =	sdelay $0x1  }
0x1b: {  	v2 =	vld [tilespmem:s22+$0x6410]  }
0x1c: {  	v3 =	vld [tilespmem:s22+$0x6420]  }
0x1d: {  	v4 =	vld [tilespmem:s22+$0x6430];
	v0 =	vmul.f32 $8.000000000e+00, v0  }
0x1e: {  	v5 =	vld [tilespmem:s22+$0x6440];
	v1 =	vmul.f32 $8.000000000e+00, v1  }
0x1f: {  	v6 =	vld [tilespmem:s22+$0x6450];
	[tilespmem:s22+$0x105F0] =	vst v0  }
0x20: {  	v0 =	vmul.f32 $8.000000000e+00, v2;
	[tilespmem:s22+$0x10400] =	vst v1;
	v1 =	vld [tilespmem:s22+$0x6470]  }
0x21: {  	v7 =	vld [tilespmem:s22+$0x6460];
	v2 =	vmul.f32 $8.000000000e+00, v3  }
0x22: {  	v3 =	vmul.f32 $8.000000000e+00, v4;
	[tilespmem:s22+$0x10410] =	vst v0;
	v0 =	vld [tilespmem:s22+$0x6480]  }
0x23: {  	v4 =	vmul.f32 $8.000000000e+00, v5;
	[tilespmem:s22+$0x10420] =	vst v2;
	v2 =	vld [tilespmem:s22+$0x6490]  }
0x24: {  	v5 =	vmul.f32 $8.000000000e+00, v6;
	[tilespmem:s22+$0x10430] =	vst v3;
	v3 =	vld [tilespmem:s22+$0x64A0]  }
0x25: {  	[tilespmem:s22+$0x10440] =	vst v4;
	v4 =	vld [tilespmem:s22+$0x64B0];
	v1 =	vmul.f32 $8.000000000e+00, v1  }
0x26: {  	v6 =	vmul.f32 $8.000000000e+00, v7;
	[tilespmem:s22+$0x10450] =	vst v5;
	v5 =	vld [tilespmem:s22+$0x64C0]  }
0x27: {  	v0 =	vmul.f32 $8.000000000e+00, v0;
	[tilespmem:s22+$0x10470] =	vst v1;
	v1 =	vld [tilespmem:s22+$0x64E0]  }
0x28: {  	[tilespmem:s22+$0x10460] =	vst v6;
	v6 =	vld [tilespmem:s22+$0x64D0];
	v2 =	vmul.f32 $8.000000000e+00, v2  }
0x29: {  	v3 =	vmul.f32 $8.000000000e+00, v3;
	[tilespmem:s22+$0x10480] =	vst v0;
	v0 =	vld [tilespmem:s22+$0x64F0]  }
0x2a: {  	v4 =	vmul.f32 $8.000000000e+00, v4;
	[tilespmem:s22+$0x10490] =	vst v2;
	v2 =	vld [tilespmem:s22+$0x6500]  }
0x2b: {  	v5 =	vmul.f32 $8.000000000e+00, v5;
	[tilespmem:s22+$0x104A0] =	vst v3;
	v3 =	vld [tilespmem:s22+$0x6510]  }
0x2c: {  	[tilespmem:s22+$0x104B0] =	vst v4;
	v4 =	vld [tilespmem:s22+$0x6520];
	v1 =	vmul.f32 $8.000000000e+00, v1  }
0x2d: {  	v6 =	vmul.f32 $8.000000000e+00, v6;
	[tilespmem:s22+$0x104C0] =	vst v5;
	v5 =	vld [tilespmem:s22+$0x6530]  }
0x2e: {  	v0 =	vmul.f32 $8.000000000e+00, v0;
	[tilespmem:s22+$0x104E0] =	vst v1;
	v1 =	vld [tilespmem:s22+$0x6550]  }
0x2f: {  	[tilespmem:s22+$0x104D0] =	vst v6;
	v6 =	vld [tilespmem:s22+$0x6540];
	v2 =	vmul.f32 $8.000000000e+00, v2  }
0x30: {  	[tilespmem:s22+$0x104F0] =	vst v0;
	v0 =	vmul.f32 $8.000000000e+00, v3;
	v3 =	vld [tilespmem:s22+$0x6570]  }
0x31: {  	v7 =	vld [tilespmem:s22+$0x6560];
	[tilespmem:s22+$0x10500] =	vst v2;
	v2 =	vmul.f32 $8.000000000e+00, v4  }
0x32: {  	v4 =	vld [tilespmem:s22+$0x6580];
	[tilespmem:s22+$0x10510] =	vst v0;
	v0 =	vmul.f32 $8.000000000e+00, v5  }
0x33: {  	v8 =	vld [tilespmem:s22+$0x6590];
	[tilespmem:s22+$0x10520] =	vst v2;
	v5 =	vmul.f32 $8.000000000e+00, v1  }
0x34: {  	v2 =	vmul.f32 $8.000000000e+00, v6;
	[tilespmem:s22+$0x10530] =	vst v0;
	v0 =	vld [tilespmem:s22+$0x65A0]  }
0x35: {  	v1 =	vld [tilespmem:s22+$0x65B0];
	[tilespmem:s22+$0x10550] =	vst v5;
	v5 =	vmul.f32 $8.000000000e+00, v3  }
0x36: {  	v6 =	vmul.f32 $8.000000000e+00, v7;
	[tilespmem:s22+$0x10540] =	vst v2;
	v2 =	vld [tilespmem:s22+$0x65C0]  }
0x37: {  	v3 =	vld [tilespmem:s22+$0x65D0];
	[tilespmem:s22+$0x10570] =	vst v5;
	v5 =	vmul.f32 $8.000000000e+00, v4  }
0x38: {  	s23 =	simm.s32 $0x200;
	s24 =	simm.s32 $0x1000;
	s21 =	smul.u32 $0x280, s20;
	[tilespmem:s22+$0x10560] =	vst v6;
	v6 =	vmul.f32 $8.000000000e+00, v8;
	v4 =	vld [tilespmem:s22+$0x65E0]  }
.LBB2_3:
0x39: {  	p1 =	sne.s32 s24, $0x13800;
	v7 =	vld [tilespmem:s23+$0x65F0];
	[tilespmem:s22+$0x10580] =	vst v5;
	v0 =	vmul.f32 $8.000000000e+00, v0  }
0x3a: {  	v5 =	vld [tilespmem:s23+$0x6400];
	[tilespmem:s22+$0x10590] =	vst v6;
	v1 =	vmul.f32 $8.000000000e+00, v1  }
0x3b: {  	v6 =	vld [tilespmem:s23+$0x6410];
	[tilespmem:s22+$0x105A0] =	vst v0;
	v0 =	vmul.f32 $8.000000000e+00, v2  }
0x3c: {  	v2 =	vld [tilespmem:s23+$0x6420];
	[tilespmem:s22+$0x105B0] =	vst v1;
	v1 =	vmul.f32 $8.000000000e+00, v3  }
0x3d: {  	v3 =	vld [tilespmem:s23+$0x6430];
	[tilespmem:s22+$0x105C0] =	vst v0;
	v0 =	vmul.f32 $8.000000000e+00, v4  }
0x3e: {  	v4 =	vld [tilespmem:s23+$0x6440];
	v7 =	vmul.f32 $8.000000000e+00, v7;
	[tilespmem:s22+$0x105D0] =	vst v1  }
0x3f: {  	v1 =	vmul.f32 $8.000000000e+00, v5;
	v5 =	vld [tilespmem:s23+$0x6450];
	[tilespmem:s22+$0x105E0] =	vst v0;
	s22 =	smov.u32 s23  }
0x40: {  	v0 =	vmul.f32 $8.000000000e+00, v6;
	v6 =	vld [tilespmem:s22+$0x6460];
	[tilespmem:s22+$0x105F0] =	vst v7  }
0x41: {  	[tilespmem:s22+$0x10400] =	vst v1;
	v1 =	vmul.f32 $8.000000000e+00, v2;
	v2 =	vld [tilespmem:s22+$0x6470]  }
0x42: {  	[tilespmem:s22+$0x10410] =	vst v0;
	v0 =	vmul.f32 $8.000000000e+00, v3;
	v3 =	vld [tilespmem:s22+$0x6480]  }
0x43: {  	[tilespmem:s22+$0x10420] =	vst v1;
	v1 =	vmul.f32 $8.000000000e+00, v4;
	v4 =	vld [tilespmem:s22+$0x6490]  }
0x44: {  	[tilespmem:s22+$0x10430] =	vst v0;
	v0 =	vmul.f32 $8.000000000e+00, v5;
	v5 =	vld [tilespmem:s22+$0x64A0]  }
0x45: {  	[tilespmem:s22+$0x10440] =	vst v1;
	v1 =	vmul.f32 $8.000000000e+00, v6;
	v6 =	vld [tilespmem:s22+$0x64B0]  }
0x46: {  	[tilespmem:s22+$0x10450] =	vst v0;
	v0 =	vmul.f32 $8.000000000e+00, v2;
	v2 =	vld [tilespmem:s22+$0x64C0]  }
0x47: {  	[tilespmem:s22+$0x10460] =	vst v1;
	v1 =	vmul.f32 $8.000000000e+00, v3;
	v3 =	vld [tilespmem:s22+$0x64D0]  }
0x48: {  	[tilespmem:s22+$0x10470] =	vst v0;
	v0 =	vmul.f32 $8.000000000e+00, v4;
	v4 =	vld [tilespmem:s22+$0x64E0]  }
0x49: {  	[tilespmem:s22+$0x10480] =	vst v1;
	v1 =	vmul.f32 $8.000000000e+00, v5;
	v5 =	vld [tilespmem:s22+$0x64F0]  }
0x4a: {  	[tilespmem:s22+$0x10490] =	vst v0;
	v0 =	vmul.f32 $8.000000000e+00, v6;
	v6 =	vld [tilespmem:s22+$0x6500]  }
0x4b: {  	[tilespmem:s22+$0x104A0] =	vst v1;
	v1 =	vmul.f32 $8.000000000e+00, v2;
	v2 =	vld [tilespmem:s22+$0x6510]  }
0x4c: {  	[tilespmem:s22+$0x104B0] =	vst v0;
	v0 =	vmul.f32 $8.000000000e+00, v3;
	v3 =	vld [tilespmem:s22+$0x6520]  }
0x4d: {  	[tilespmem:s22+$0x104C0] =	vst v1;
	v1 =	vmul.f32 $8.000000000e+00, v4;
	v4 =	vld [tilespmem:s22+$0x6530]  }
0x4e: {  	[tilespmem:s22+$0x104D0] =	vst v0;
	v0 =	vmul.f32 $8.000000000e+00, v5;
	v5 =	vld [tilespmem:s22+$0x6540]  }
0x4f: {  	[tilespmem:s22+$0x104E0] =	vst v1;
	v1 =	vmul.f32 $8.000000000e+00, v6;
	v6 =	vld [tilespmem:s22+$0x6550]  }
0x50: {  	[tilespmem:s22+$0x104F0] =	vst v0;
	v0 =	vmul.f32 $8.000000000e+00, v2;
	v2 =	vld [tilespmem:s22+$0x6560]  }
0x51: {  	[tilespmem:s22+$0x10500] =	vst v1;
	v1 =	vmul.f32 $8.000000000e+00, v3;
	v3 =	vld [tilespmem:s22+$0x6570]  }
0x52: {  	[tilespmem:s22+$0x10510] =	vst v0;
	v0 =	vmul.f32 $8.000000000e+00, v4;
	v4 =	vld [tilespmem:s22+$0x6580]  }
0x53: {  	[tilespmem:s22+$0x10520] =	vst v1;
	v1 =	vmul.f32 $8.000000000e+00, v5;
	v7 =	vld [tilespmem:s22+$0x6590]  }
.Ltmp0:
0x54: {  	[tilespmem:s22+$0x10530] =	vst v0;
	v5 =	vmul.f32 $8.000000000e+00, v6;
	v0 =	vld [tilespmem:s22+$0x65A0];
	(pc) =	sbr.rel @p1 .LBB2_3-.Ltmp0, $4  }
0x55: {  	[tilespmem:s22+$0x10540] =	vst v1;
	v6 =	vmul.f32 $8.000000000e+00, v2;
	v1 =	vld [tilespmem:s22+$0x65B0]  }
0x56: {  	[tilespmem:s22+$0x10550] =	vst v5;
	v8 =	vmul.f32 $8.000000000e+00, v3;
	v2 =	vld [tilespmem:s22+$0x65C0]  }
0x57: {  	[tilespmem:s22+$0x10560] =	vst v6;
	v5 =	vmul.f32 $8.000000000e+00, v4;
	v3 =	vld [tilespmem:s22+$0x65D0]  }
0x58: {  	s23 =	sshra.s32 s24, $0x2;
	s24 =	sadd.s32 $0x800, s24;
	[tilespmem:s22+$0x10570] =	vst v8;
	v6 =	vmul.f32 $8.000000000e+00, v7;
	v4 =	vld [tilespmem:s22+$0x65E0]  }
0x59: {  	v7 =	vld [tilespmem:s23+$0x65F0];
	[tilespmem:s22+$0x10580] =	vst v5;
	v0 =	vmul.f32 $8.000000000e+00, v0  }
0x5a: {  	v5 =	vld [tilespmem:s23+$0x6400];
	[tilespmem:s22+$0x10590] =	vst v6;
	v1 =	vmul.f32 $8.000000000e+00, v1  }
0x5b: {  	v6 =	vld [tilespmem:s23+$0x6410];
	[tilespmem:s22+$0x105A0] =	vst v0;
	v2 =	vmul.f32 $8.000000000e+00, v2  }
0x5c: {  	v0 =	vld [tilespmem:s23+$0x6420];
	[tilespmem:s22+$0x105B0] =	vst v1;
	v3 =	vmul.f32 $8.000000000e+00, v3  }
0x5d: {  	v1 =	vld [tilespmem:s23+$0x6430];
	[tilespmem:s22+$0x105C0] =	vst v2;
	v4 =	vmul.f32 $8.000000000e+00, v4  }
0x5e: {  	v2 =	vld [tilespmem:s23+$0x6440];
	[tilespmem:s22+$0x105D0] =	vst v3;
	v7 =	vmul.f32 $8.000000000e+00, v7  }
0x5f: {  	v3 =	vld [tilespmem:s23+$0x6450];
	[tilespmem:s22+$0x105E0] =	vst v4;
	v4 =	vmul.f32 $8.000000000e+00, v5  }
0x60: {  	v5 =	vld [tilespmem:s23+$0x6460];
	[tilespmem:s23+$0x105F0] =	vst v7;
	v6 =	vmul.f32 $8.000000000e+00, v6  }
0x61: {  	[tilespmem:s23+$0x10400] =	vst v4;
	v4 =	vld [tilespmem:s23+$0x6470];
	v0 =	vmul.f32 $8.000000000e+00, v0  }
0x62: {  	[tilespmem:s23+$0x10410] =	vst v6;
	v6 =	vld [tilespmem:s23+$0x6480];
	v1 =	vmul.f32 $8.000000000e+00, v1  }
0x63: {  	[tilespmem:s23+$0x10420] =	vst v0;
	v0 =	vld [tilespmem:s23+$0x6490];
	v2 =	vmul.f32 $8.000000000e+00, v2  }
0x64: {  	[tilespmem:s23+$0x10430] =	vst v1;
	v1 =	vld [tilespmem:s23+$0x64A0];
	v3 =	vmul.f32 $8.000000000e+00, v3  }
0x65: {  	[tilespmem:s23+$0x10440] =	vst v2;
	v2 =	vld [tilespmem:s23+$0x64B0];
	v5 =	vmul.f32 $8.000000000e+00, v5  }
0x66: {  	[tilespmem:s23+$0x10450] =	vst v3;
	v3 =	vld [tilespmem:s23+$0x64C0];
	v4 =	vmul.f32 $8.000000000e+00, v4  }
0x67: {  	[tilespmem:s23+$0x10460] =	vst v5;
	v5 =	vld [tilespmem:s23+$0x64D0];
	v6 =	vmul.f32 $8.000000000e+00, v6  }
0x68: {  	[tilespmem:s23+$0x10470] =	vst v4;
	v4 =	vld [tilespmem:s23+$0x64E0];
	v0 =	vmul.f32 $8.000000000e+00, v0  }
0x69: {  	[tilespmem:s23+$0x10480] =	vst v6;
	v6 =	vld [tilespmem:s23+$0x64F0];
	v1 =	vmul.f32 $8.000000000e+00, v1  }
0x6a: {  	[tilespmem:s23+$0x10490] =	vst v0;
	v0 =	vld [tilespmem:s23+$0x6500];
	v2 =	vmul.f32 $8.000000000e+00, v2  }
0x6b: {  	[tilespmem:s23+$0x104A0] =	vst v1;
	v1 =	vld [tilespmem:s23+$0x6510];
	v3 =	vmul.f32 $8.000000000e+00, v3  }
0x6c: {  	[tilespmem:s23+$0x104B0] =	vst v2;
	v2 =	vld [tilespmem:s23+$0x6520];
	v5 =	vmul.f32 $8.000000000e+00, v5  }
0x6d: {  	[tilespmem:s23+$0x104C0] =	vst v3;
	v3 =	vld [tilespmem:s23+$0x6530];
	v4 =	vmul.f32 $8.000000000e+00, v4  }
0x6e: {  	[tilespmem:s23+$0x104D0] =	vst v5;
	v5 =	vld [tilespmem:s23+$0x6540];
	v6 =	vmul.f32 $8.000000000e+00, v6  }
0x6f: {  	[tilespmem:s23+$0x104E0] =	vst v4;
	v4 =	vld [tilespmem:s23+$0x6550];
	v0 =	vmul.f32 $8.000000000e+00, v0  }
0x70: {  	[tilespmem:s23+$0x104F0] =	vst v6;
	v6 =	vld [tilespmem:s23+$0x6560];
	v1 =	vmul.f32 $8.000000000e+00, v1  }
0x71: {  	[tilespmem:s23+$0x10500] =	vst v0;
	v0 =	vld [tilespmem:s23+$0x6570];
	v2 =	vmul.f32 $8.000000000e+00, v2  }
0x72: {  	[tilespmem:s23+$0x10510] =	vst v1;
	v1 =	vld [tilespmem:s23+$0x6580];
	v3 =	vmul.f32 $8.000000000e+00, v3  }
0x73: {  	[tilespmem:s23+$0x10520] =	vst v2;
	v2 =	vld [tilespmem:s23+$0x6590];
	v5 =	vmul.f32 $8.000000000e+00, v5  }
0x74: {  	[tilespmem:s23+$0x10530] =	vst v3;
	v3 =	vld [tilespmem:s23+$0x65A0];
	v4 =	vmul.f32 $8.000000000e+00, v4  }
0x75: {  	[tilespmem:s23+$0x10540] =	vst v5;
	v5 =	vld [tilespmem:s23+$0x65B0];
	v6 =	vmul.f32 $8.000000000e+00, v6  }
0x76: {  	[tilespmem:s23+$0x10550] =	vst v4;
	v4 =	vld [tilespmem:s23+$0x65C0];
	v0 =	vmul.f32 $8.000000000e+00, v0  }
0x77: {  	[tilespmem:s23+$0x10560] =	vst v6;
	v6 =	vld [tilespmem:s23+$0x65D0];
	v1 =	vmul.f32 $8.000000000e+00, v1  }
0x78: {  	[tilespmem:s23+$0x10570] =	vst v0;
	v0 =	vmul.f32 $8.000000000e+00, v2;
	v2 =	vld [tilespmem:s23+$0x65E0]  }
0x79: {  	[tilespmem:s23+$0x10580] =	vst v1;
	v1 =	vmul.f32 $8.000000000e+00, v3  }
0x7a: {  	[tilespmem:s23+$0x10590] =	vst v0;
	v0 =	vmul.f32 $8.000000000e+00, v5  }
0x7b: {  	[tilespmem:s23+$0x105A0] =	vst v1;
	v1 =	vmul.f32 $8.000000000e+00, v4  }
0x7c: {  	[tilespmem:s23+$0x105B0] =	vst v0;
	v0 =	vmul.f32 $8.000000000e+00, v6  }
0x7d: {  	[tilespmem:s23+$0x105C0] =	vst v1;
	v1 =	vmul.f32 $8.000000000e+00, v2  }
0x7e: {  	p1 =	seq.s32 s20, $0x27;
	s31 =	sadd.s32 s4, s21;
	[tilespmem:s23+$0x105D0] =	vst v0  }
0x7f: {  	s24 =	simm.s32 @!p1 $0x6400;
	s22 =	sadd.s32 @!p1 $0x280, s21;
	[tilespmem:s23+$0x105E0] =	vst v1;
	s23 =	simm.s32 @!p1 $0x140  }
0x80: {  	[tilespmem:s24], [sflag:$0x1] =	stream.indirect.gather @!p1 [hbm4b:s5+s23], $0x40, s22, s23, $0xb8;
	[tilespmem:$0x1A400] =	vst v63  }
0x81: {  	s22 =	sshll.u32 s31, $0x3  }
0x82: {  	s22 =	sadd.s32 s2, s22  }
0x83: {  	[hbm4b:s22+s3] =	stream.linear.scatter [tilespmem:s14], [sflag:$0x3], $0x5000, $0x38;
	[tilespmem:$0x1A400] =	vst v63  }
0x84: {  	_ =	swait.ge [sflag:s15], $0x5000  }
0x85: {  	[sflag:s15] =	ssyncset.done $0x0  }
0x86: {  	s22 =	simm.s32 @!p0 $0x4;
	[sflag:s15] =	ssyncadd.s32 $0xFFFFB000  }
0x87: {  	_ =	swait.ge @!p0 [sflag:s22], $0x5000  }
0x88: {  	[sflag:s22] =	ssyncset.done @!p0 $0x0  }
0x89: {  	[sflag:s22] =	ssyncadd.s32 @!p0 $0xFFFFB000;
	s22 =	simm.s32 $0x0  }
0x8a: {  	v0 =	vld [tilespmem:s22+$0xB5F0]  }
0x8b: {  	v1 =	vld [tilespmem:s22+$0xB400];
	_ =	sdelay $0x1  }
0x8c: {  	v2 =	vld [tilespmem:s22+$0xB410]  }
0x8d: {  	v3 =	vld [tilespmem:s22+$0xB420]  }
0x8e: {  	v4 =	vld [tilespmem:s22+$0xB430];
	v0 =	vmul.f32 $8.000000000e+00, v0  }
0x8f: {  	v5 =	vld [tilespmem:s22+$0xB440];
	v1 =	vmul.f32 $8.000000000e+00, v1  }
0x90: {  	v6 =	vld [tilespmem:s22+$0xB450];
	[tilespmem:s22+$0x155F0] =	vst v0  }
0x91: {  	v0 =	vmul.f32 $8.000000000e+00, v2;
	[tilespmem:s22+$0x15400] =	vst v1;
	v1 =	vld [tilespmem:s22+$0xB470]  }
0x92: {  	v7 =	vld [tilespmem:s22+$0xB460];
	v2 =	vmul.f32 $8.000000000e+00, v3  }
0x93: {  	v3 =	vmul.f32 $8.000000000e+00, v4;
	[tilespmem:s22+$0x15410] =	vst v0;
	v0 =	vld [tilespmem:s22+$0xB480]  }
0x94: {  	v4 =	vmul.f32 $8.000000000e+00, v5;
	[tilespmem:s22+$0x15420] =	vst v2;
	v2 =	vld [tilespmem:s22+$0xB490]  }
0x95: {  	v5 =	vmul.f32 $8.000000000e+00, v6;
	[tilespmem:s22+$0x15430] =	vst v3;
	v3 =	vld [tilespmem:s22+$0xB4A0]  }
0x96: {  	[tilespmem:s22+$0x15440] =	vst v4;
	v4 =	vld [tilespmem:s22+$0xB4B0];
	v1 =	vmul.f32 $8.000000000e+00, v1  }
0x97: {  	v6 =	vmul.f32 $8.000000000e+00, v7;
	[tilespmem:s22+$0x15450] =	vst v5;
	v5 =	vld [tilespmem:s22+$0xB4C0]  }
0x98: {  	v0 =	vmul.f32 $8.000000000e+00, v0;
	[tilespmem:s22+$0x15470] =	vst v1;
	v1 =	vld [tilespmem:s22+$0xB4E0]  }
0x99: {  	[tilespmem:s22+$0x15460] =	vst v6;
	v6 =	vld [tilespmem:s22+$0xB4D0];
	v2 =	vmul.f32 $8.000000000e+00, v2  }
0x9a: {  	v3 =	vmul.f32 $8.000000000e+00, v3;
	[tilespmem:s22+$0x15480] =	vst v0;
	v0 =	vld [tilespmem:s22+$0xB4F0]  }
0x9b: {  	v4 =	vmul.f32 $8.000000000e+00, v4;
	[tilespmem:s22+$0x15490] =	vst v2;
	v2 =	vld [tilespmem:s22+$0xB500]  }
0x9c: {  	v5 =	vmul.f32 $8.000000000e+00, v5;
	[tilespmem:s22+$0x154A0] =	vst v3;
	v3 =	vld [tilespmem:s22+$0xB510]  }
0x9d: {  	[tilespmem:s22+$0x154B0] =	vst v4;
	v4 =	vld [tilespmem:s22+$0xB520];
	v1 =	vmul.f32 $8.000000000e+00, v1  }
0x9e: {  	v6 =	vmul.f32 $8.000000000e+00, v6;
	[tilespmem:s22+$0x154C0] =	vst v5;
	v5 =	vld [tilespmem:s22+$0xB530]  }
0x9f: {  	v0 =	vmul.f32 $8.000000000e+00, v0;
	[tilespmem:s22+$0x154E0] =	vst v1;
	v1 =	vld [tilespmem:s22+$0xB550]  }
0xa0: {  	[tilespmem:s22+$0x154D0] =	vst v6;
	v6 =	vld [tilespmem:s22+$0xB540];
	v2 =	vmul.f32 $8.000000000e+00, v2  }
0xa1: {  	[tilespmem:s22+$0x154F0] =	vst v0;
	v0 =	vmul.f32 $8.000000000e+00, v3;
	v3 =	vld [tilespmem:s22+$0xB570]  }
0xa2: {  	v7 =	vld [tilespmem:s22+$0xB560];
	[tilespmem:s22+$0x15500] =	vst v2;
	v2 =	vmul.f32 $8.000000000e+00, v4  }
0xa3: {  	v4 =	vld [tilespmem:s22+$0xB580];
	[tilespmem:s22+$0x15510] =	vst v0;
	v0 =	vmul.f32 $8.000000000e+00, v5  }
0xa4: {  	v8 =	vld [tilespmem:s22+$0xB590];
	[tilespmem:s22+$0x15520] =	vst v2;
	v5 =	vmul.f32 $8.000000000e+00, v1  }
0xa5: {  	v2 =	vmul.f32 $8.000000000e+00, v6;
	[tilespmem:s22+$0x15530] =	vst v0;
	v0 =	vld [tilespmem:s22+$0xB5A0]  }
0xa6: {  	v1 =	vld [tilespmem:s22+$0xB5B0];
	[tilespmem:s22+$0x15550] =	vst v5;
	v5 =	vmul.f32 $8.000000000e+00, v3  }
0xa7: {  	v6 =	vmul.f32 $8.000000000e+00, v7;
	[tilespmem:s22+$0x15540] =	vst v2;
	v2 =	vld [tilespmem:s22+$0xB5C0]  }
0xa8: {  	v3 =	vld [tilespmem:s22+$0xB5D0];
	[tilespmem:s22+$0x15570] =	vst v5;
	v5 =	vmul.f32 $8.000000000e+00, v4  }
0xa9: {  	s23 =	simm.s32 $0x200;
	s24 =	simm.s32 $0x1000;
	[tilespmem:s22+$0x15560] =	vst v6;
	v6 =	vmul.f32 $8.000000000e+00, v8;
	v4 =	vld [tilespmem:s22+$0xB5E0]  }
.LBB2_5:
0xaa: {  	p0 =	sne.s32 s24, $0x13800;
	v7 =	vld [tilespmem:s23+$0xB5F0];
	[tilespmem:s22+$0x15580] =	vst v5;
	v0 =	vmul.f32 $8.000000000e+00, v0  }
0xab: {  	v5 =	vld [tilespmem:s23+$0xB400];
	[tilespmem:s22+$0x15590] =	vst v6;
	v1 =	vmul.f32 $8.000000000e+00, v1  }
0xac: {  	v6 =	vld [tilespmem:s23+$0xB410];
	[tilespmem:s22+$0x155A0] =	vst v0;
	v0 =	vmul.f32 $8.000000000e+00, v2  }
0xad: {  	v2 =	vld [tilespmem:s23+$0xB420];
	[tilespmem:s22+$0x155B0] =	vst v1;
	v1 =	vmul.f32 $8.000000000e+00, v3  }
0xae: {  	v3 =	vld [tilespmem:s23+$0xB430];
	[tilespmem:s22+$0x155C0] =	vst v0;
	v0 =	vmul.f32 $8.000000000e+00, v4  }
0xaf: {  	v4 =	vld [tilespmem:s23+$0xB440];
	v7 =	vmul.f32 $8.000000000e+00, v7;
	[tilespmem:s22+$0x155D0] =	vst v1  }
0xb0: {  	v1 =	vmul.f32 $8.000000000e+00, v5;
	v5 =	vld [tilespmem:s23+$0xB450];
	[tilespmem:s22+$0x155E0] =	vst v0;
	s22 =	smov.u32 s23  }
0xb1: {  	v0 =	vmul.f32 $8.000000000e+00, v6;
	v6 =	vld [tilespmem:s22+$0xB460];
	[tilespmem:s22+$0x155F0] =	vst v7  }
0xb2: {  	[tilespmem:s22+$0x15400] =	vst v1;
	v1 =	vmul.f32 $8.000000000e+00, v2;
	v2 =	vld [tilespmem:s22+$0xB470]  }
0xb3: {  	[tilespmem:s22+$0x15410] =	vst v0;
	v0 =	vmul.f32 $8.000000000e+00, v3;
	v3 =	vld [tilespmem:s22+$0xB480]  }
0xb4: {  	[tilespmem:s22+$0x15420] =	vst v1;
	v1 =	vmul.f32 $8.000000000e+00, v4;
	v4 =	vld [tilespmem:s22+$0xB490]  }
0xb5: {  	[tilespmem:s22+$0x15430] =	vst v0;
	v0 =	vmul.f32 $8.000000000e+00, v5;
	v5 =	vld [tilespmem:s22+$0xB4A0]  }
0xb6: {  	[tilespmem:s22+$0x15440] =	vst v1;
	v1 =	vmul.f32 $8.000000000e+00, v6;
	v6 =	vld [tilespmem:s22+$0xB4B0]  }
0xb7: {  	[tilespmem:s22+$0x15450] =	vst v0;
	v0 =	vmul.f32 $8.000000000e+00, v2;
	v2 =	vld [tilespmem:s22+$0xB4C0]  }
0xb8: {  	[tilespmem:s22+$0x15460] =	vst v1;
	v1 =	vmul.f32 $8.000000000e+00, v3;
	v3 =	vld [tilespmem:s22+$0xB4D0]  }
0xb9: {  	[tilespmem:s22+$0x15470] =	vst v0;
	v0 =	vmul.f32 $8.000000000e+00, v4;
	v4 =	vld [tilespmem:s22+$0xB4E0]  }
0xba: {  	[tilespmem:s22+$0x15480] =	vst v1;
	v1 =	vmul.f32 $8.000000000e+00, v5;
	v5 =	vld [tilespmem:s22+$0xB4F0]  }
0xbb: {  	[tilespmem:s22+$0x15490] =	vst v0;
	v0 =	vmul.f32 $8.000000000e+00, v6;
	v6 =	vld [tilespmem:s22+$0xB500]  }
0xbc: {  	[tilespmem:s22+$0x154A0] =	vst v1;
	v1 =	vmul.f32 $8.000000000e+00, v2;
	v2 =	vld [tilespmem:s22+$0xB510]  }
0xbd: {  	[tilespmem:s22+$0x154B0] =	vst v0;
	v0 =	vmul.f32 $8.000000000e+00, v3;
	v3 =	vld [tilespmem:s22+$0xB520]  }
0xbe: {  	[tilespmem:s22+$0x154C0] =	vst v1;
	v1 =	vmul.f32 $8.000000000e+00, v4;
	v4 =	vld [tilespmem:s22+$0xB530]  }
0xbf: {  	[tilespmem:s22+$0x154D0] =	vst v0;
	v0 =	vmul.f32 $8.000000000e+00, v5;
	v5 =	vld [tilespmem:s22+$0xB540]  }
0xc0: {  	[tilespmem:s22+$0x154E0] =	vst v1;
	v1 =	vmul.f32 $8.000000000e+00, v6;
	v6 =	vld [tilespmem:s22+$0xB550]  }
0xc1: {  	[tilespmem:s22+$0x154F0] =	vst v0;
	v0 =	vmul.f32 $8.000000000e+00, v2;
	v2 =	vld [tilespmem:s22+$0xB560]  }
0xc2: {  	[tilespmem:s22+$0x15500] =	vst v1;
	v1 =	vmul.f32 $8.000000000e+00, v3;
	v3 =	vld [tilespmem:s22+$0xB570]  }
0xc3: {  	[tilespmem:s22+$0x15510] =	vst v0;
	v0 =	vmul.f32 $8.000000000e+00, v4;
	v4 =	vld [tilespmem:s22+$0xB580]  }
0xc4: {  	[tilespmem:s22+$0x15520] =	vst v1;
	v1 =	vmul.f32 $8.000000000e+00, v5;
	v7 =	vld [tilespmem:s22+$0xB590]  }
.Ltmp1:
0xc5: {  	[tilespmem:s22+$0x15530] =	vst v0;
	v5 =	vmul.f32 $8.000000000e+00, v6;
	v0 =	vld [tilespmem:s22+$0xB5A0];
	(pc) =	sbr.rel @p0 .LBB2_5-.Ltmp1, $4  }
0xc6: {  	[tilespmem:s22+$0x15540] =	vst v1;
	v6 =	vmul.f32 $8.000000000e+00, v2;
	v1 =	vld [tilespmem:s22+$0xB5B0]  }
0xc7: {  	[tilespmem:s22+$0x15550] =	vst v5;
	v8 =	vmul.f32 $8.000000000e+00, v3;
	v2 =	vld [tilespmem:s22+$0xB5C0]  }
0xc8: {  	[tilespmem:s22+$0x15560] =	vst v6;
	v5 =	vmul.f32 $8.000000000e+00, v4;
	v3 =	vld [tilespmem:s22+$0xB5D0]  }
0xc9: {  	s23 =	sshra.s32 s24, $0x2;
	s24 =	sadd.s32 $0x800, s24;
	[tilespmem:s22+$0x15570] =	vst v8;
	v6 =	vmul.f32 $8.000000000e+00, v7;
	v4 =	vld [tilespmem:s22+$0xB5E0]  }
0xca: {  	v7 =	vld [tilespmem:s23+$0xB5F0];
	[tilespmem:s22+$0x15580] =	vst v5;
	v0 =	vmul.f32 $8.000000000e+00, v0  }
0xcb: {  	v5 =	vld [tilespmem:s23+$0xB400];
	[tilespmem:s22+$0x15590] =	vst v6;
	v1 =	vmul.f32 $8.000000000e+00, v1  }
0xcc: {  	v6 =	vld [tilespmem:s23+$0xB410];
	[tilespmem:s22+$0x155A0] =	vst v0;
	v2 =	vmul.f32 $8.000000000e+00, v2  }
0xcd: {  	v0 =	vld [tilespmem:s23+$0xB420];
	[tilespmem:s22+$0x155B0] =	vst v1;
	v3 =	vmul.f32 $8.000000000e+00, v3  }
0xce: {  	v1 =	vld [tilespmem:s23+$0xB430];
	[tilespmem:s22+$0x155C0] =	vst v2;
	v4 =	vmul.f32 $8.000000000e+00, v4  }
0xcf: {  	v2 =	vld [tilespmem:s23+$0xB440];
	[tilespmem:s22+$0x155D0] =	vst v3;
	v7 =	vmul.f32 $8.000000000e+00, v7  }
0xd0: {  	v3 =	vld [tilespmem:s23+$0xB450];
	[tilespmem:s22+$0x155E0] =	vst v4;
	v32 =	vmul.f32 $8.000000000e+00, v5  }
0xd1: {  	v33 =	vld [tilespmem:s23+$0xB460];
	[tilespmem:s23+$0x155F0] =	vst v7;
	v6 =	vmul.f32 $8.000000000e+00, v6  }
0xd2: {  	v34 =	vld [tilespmem:s23+$0xB470];
	[tilespmem:s23+$0x15400] =	vst v32;
	v0 =	vmul.f32 $8.000000000e+00, v0  }
0xd3: {  	v35 =	vld [tilespmem:s23+$0xB480];
	[tilespmem:s23+$0x15410] =	vst v6;
	v1 =	vmul.f32 $8.000000000e+00, v1  }
0xd4: {  	v36 =	vld [tilespmem:s23+$0xB490];
	[tilespmem:s23+$0x15420] =	vst v0;
	v2 =	vmul.f32 $8.000000000e+00, v2  }
0xd5: {  	v37 =	vld [tilespmem:s23+$0xB4A0];
	[tilespmem:s23+$0x15430] =	vst v1;
	v3 =	vmul.f32 $8.000000000e+00, v3  }
0xd6: {  	v38 =	vld [tilespmem:s23+$0xB4B0];
	[tilespmem:s23+$0x15440] =	vst v2;
	v5 =	vmul.f32 $8.000000000e+00, v33  }
0xd7: {  	v52 =	vld [tilespmem:s23+$0xB590];
	v4 =	vmul.f32 $8.000000000e+00, v34;
	[tilespmem:s23+$0x15450] =	vst v3  }
0xd8: {  	v53 =	vld [tilespmem:s23+$0xB5A0];
	v6 =	vmul.f32 $8.000000000e+00, v35;
	[tilespmem:s23+$0x15460] =	vst v5  }
0xd9: {  	v54 =	vld [tilespmem:s23+$0xB5B0];
	v0 =	vmul.f32 $8.000000000e+00, v36;
	[tilespmem:s23+$0x15470] =	vst v4  }
0xda: {  	v55 =	vld [tilespmem:s23+$0xB5C0];
	v1 =	vmul.f32 $8.000000000e+00, v37;
	[tilespmem:s23+$0x15480] =	vst v6  }
0xdb: {  	v56 =	vld [tilespmem:s23+$0xB5D0];
	v2 =	vmul.f32 $8.000000000e+00, v38;
	[tilespmem:s23+$0x15490] =	vst v0  }
0xdc: {  	v58 =	vld [tilespmem:s23+$0xB5E0];
	v57 =	vmul.f32 $8.000000000e+00, v52;
	[tilespmem:s23+$0x154A0] =	vst v1  }
0xdd: {  	v39 =	vld [tilespmem:s23+$0xB4C0];
	v59 =	vmul.f32 $8.000000000e+00, v53;
	[tilespmem:s23+$0x154B0] =	vst v2  }
0xde: {  	v40 =	vld [tilespmem:s23+$0xB4D0];
	v60 =	vmul.f32 $8.000000000e+00, v54;
	[tilespmem:s23+$0x15590] =	vst v57  }
0xdf: {  	v41 =	vld [tilespmem:s23+$0xB4E0];
	v61 =	vmul.f32 $8.000000000e+00, v55;
	[tilespmem:s23+$0x155A0] =	vst v59  }
0xe0: {  	v42 =	vld [tilespmem:s23+$0xB4F0];
	v62 =	vmul.f32 $8.000000000e+00, v56;
	[tilespmem:s23+$0x155B0] =	vst v60  }
0xe1: {  	v43 =	vld [tilespmem:s23+$0xB500];
	v63 =	vmul.f32 $8.000000000e+00, v58;
	[tilespmem:s23+$0x155C0] =	vst v61  }
0xe2: {  	v44 =	vld [tilespmem:s23+$0xB510];
	v3 =	vmul.f32 $8.000000000e+00, v39;
	[tilespmem:s23+$0x155D0] =	vst v62  }
0xe3: {  	v45 =	vld [tilespmem:s23+$0xB520];
	v5 =	vmul.f32 $8.000000000e+00, v40;
	[tilespmem:s23+$0x155E0] =	vst v63  }
0xe4: {  	v46 =	vld [tilespmem:s23+$0xB530];
	v4 =	vmul.f32 $8.000000000e+00, v41;
	[tilespmem:s23+$0x154C0] =	vst v3  }
0xe5: {  	v47 =	vld [tilespmem:s23+$0xB540];
	v6 =	vmul.f32 $8.000000000e+00, v42;
	[tilespmem:s23+$0x154D0] =	vst v5  }
0xe6: {  	v48 =	vld [tilespmem:s23+$0xB550];
	v0 =	vmul.f32 $8.000000000e+00, v43;
	[tilespmem:s23+$0x154E0] =	vst v4  }
0xe7: {  	v49 =	vld [tilespmem:s23+$0xB560];
	v1 =	vmul.f32 $8.000000000e+00, v44;
	[tilespmem:s23+$0x154F0] =	vst v6  }
0xe8: {  	v50 =	vld [tilespmem:s23+$0xB570];
	v2 =	vmul.f32 $8.000000000e+00, v45;
	[tilespmem:s23+$0x15500] =	vst v0  }
0xe9: {  	v51 =	vld [tilespmem:s23+$0xB580];
	v3 =	vmul.f32 $8.000000000e+00, v46;
	[tilespmem:s23+$0x15510] =	vst v1  }
0xea: {  	[tilespmem:s23+$0x15520] =	vst v2;
	v5 =	vmul.f32 $8.000000000e+00, v47  }
0xeb: {  	v4 =	vmul.f32 $8.000000000e+00, v48;
	[tilespmem:s23+$0x15530] =	vst v3  }
0xec: {  	v6 =	vmul.f32 $8.000000000e+00, v49;
	[tilespmem:s23+$0x15540] =	vst v5  }
0xed: {  	s20 =	sadd.s32 $0x1, s20;
	v0 =	vmul.f32 $8.000000000e+00, v50;
	[tilespmem:s23+$0x15550] =	vst v4  }
0xee: {  	s31 =	sadd.s32 s21, s7;
	p0 =	sne.s32 s20, $0x28;
	v1 =	vmul.f32 $8.000000000e+00, v51;
	[tilespmem:s23+$0x15560] =	vst v6  }
.Ltmp2:
0xef: {  	s22 =	sadd.s32 @!p1 $0x3C0, s21;
	s21 =	sshll.u32 s31, $0x3;
	[tilespmem:s23+$0x15570] =	vst v0;
	(pc) =	sbr.rel @p0 .LBB2_2-.Ltmp2, $4  }
0xf0: {  	s24 =	simm.s32 @!p1 $0xB400;
	s21 =	sand.u32 $0x1FFFFE00, s21;
	[tilespmem:s23+$0x15580] =	vst v1;
	s23 =	simm.s32 @!p1 $0x140  }
0xf1: {  	[tilespmem:s24], [sflag:$0x2] =	stream.indirect.gather @!p1 [hbm4b:s5+s23], $0x40, s22, s23, $0xb8;
	[tilespmem:$0x1A400] =	vst v63  }
0xf2: {  	s21 =	sadd.s32 s2, s21  }
0xf3: {  	[hbm4b:s21+s3] =	stream.linear.scatter [tilespmem:s16], [sflag:$0x4], $0x5000, $0x38;
	[tilespmem:$0x1A400] =	vst v63  }
0xf4: {  	s19 =	sadd.s32 $0x1, s19  }
0xf5: {  	_ =	swait.ge [sflag:s17], $0x5000;
	p0 =	sne.s32 s19, s8  }
.Ltmp3:
0xf6: {  	[sflag:s17] =	ssyncset.done $0x0;
	(pc) =	sbr.rel @p0 .LBB2_1-.Ltmp3, $4  }
0xf7: {  	[sflag:s17] =	ssyncadd.s32 $0xFFFFB000  }
0xf8: {  	_ =	swait.ge [sflag:s18], $0x5000  }
0xf9: {  	[sflag:s18] =	ssyncset.done $0x0  }
0xfa: {  	[sflag:s18] =	ssyncadd.s32 $0xFFFFB000  }
0xfb: {  	_ =	sfence.sel $0x180000  }
0xfc: {  	[bflag:$0x0] =	sbarrier.arrive $0xFFFF  }
0xfd: {  	p0 =	sne.s32 s0, $0x0;
	_ =	strace $0x90000047  }
0xfe: {  	s0 =	sadd.s32 @!p0 $0x100000, s1;
	[bflag:$0x2] =	sbarrier.arrive $0xFFFF  }
0xff: {  	[sflag:s0] =	ssyncadd.tile.s32 @!p0 $0x1;
	_ =	shalt  }
.Lfunc_end2:
_tile_overlayer_lowered:
.L_overlay_start_2:
0x100: {  	(tag) =	ssettag $0x2  }
0x101: {  	s0 =	rddreg [dreg:$0x0];
	s2 =	stileid.u32  }
0x102: {  	s1 =	rddreg [dreg:$0x1];
	p0 =	sne.s32 s2, $0x0  }
0x103: {  	s3 =	rddreg [dreg:$0x2];
	[bflag:$0x3] =	sbarrier.arrive $0xFFFF;
	s2 =	simm.s32 @!p0 $0x1C05  }
0x104: {  	[timem:s3], [sflag:s2] =	dma.local @!p0 [hbm:s0], s1  }
0x105: {  	s0 =	simm.s32 @!p0 $0x5  }
0x106: {  	_ =	swait.ge @!p0 [sflag:s0], s1  }
0x107: {  	s1 =	ssub.s32 @!p0 $0x0, s1;
	[sflag:s0] =	ssyncset.done @!p0 $0x0  }
0x108: {  	[sflag:s0] =	ssyncadd.s32 @!p0 s1  }
0x109: {  	[bflag:$0x3] =	sbarrier.arrive $0xFFFF  }
0x10a: {  	_ =	shalt  }

// kernel: sparse-core-data-format-call.cloned.1.call-start
scs
called_computation_lowered:
.L_overlay_start_0:
0x0: {  	s2 =	sld [smem:$0x3FD9]  }
0x1: {  	s3 =	sld [smem:$0x3FFE];
	_ =	sdelay $0x1  }
0x2: {  	s1 =	srdreg.scid  }
0x3: {  	s0 =	sand.u32 $0x1, s1  }
0x4: {  	s18 =	sshll.u32 s0, $0xA;
	s2 =	sadd.s32 s3, s2  }
0x5: {  	s2 =	sadd.s32 s2, s18  }
0x6: {  	[smem:$0x3FC6] =	sst s2  }
0x7: {  	_ = 	snop  }
0x8: {  	s2 =	sld [smem:$0x3FD0];
	(tm) =	ssettm $0x1  }
0x9: {  	s19 =	sld [smem:$0x3FFB];
	_ =	sdelay $0x3  }
0xa: {  	_ =	strace s19  }
0xb: {  	s3 =	sld [smem:$0x3FFC];
	_ =	sdelay $0x3  }
0xc: {  	_ =	strace s3  }
0xd: {  	s3 =	sld [smem:$0x3FFD];
	_ =	sdelay $0x3  }
0xe: {  	_ =	strace s3  }
0xf: {  	_ =	strace $0x8FFFFFFF  }
0x10: {  	s20 =	sld [smem:$0x3FDB];
	_ =	sdelay $0x1  }
0x11: {  	s4 =	simm.s32 $_scs_section_size  }
0x12: {  	s5 =	simm.s32 $_size__tile_overlayer_lowered;
	s6 =	simm.s32 $_tile_overlayer_lowered  }
0x13: {  	s23 =	simm.s32 $0x1BFF;
	s22 =	sshll.u32 s6, $0x1;
	s3 =	sadd.s32 s4, s20  }
0x14: {  	s7 =	simm.s32 $0x0;
	s21 =	sshll.u32 s5, $0x1;
	s5 =	sadd.s32 s22, s3  }
0x15: {  	[timem:s7], [sflag:s23] =	dma.local [hbm:s5], s21  }
0x16: {  	_ =	swait.ge [sflag:s23], s21  }
0x17: {  	s4 =	ssub.s32 $0x0, s21;
	[sflag:s23] =	ssyncset.done $0x0  }
0x18: {  	[sflag:s23] =	ssyncadd.s32 s4;
	_ =	sdelay $0x1  }
0x19: {  	s24 =	simm.s32 $0x1B8B  }
0x1a: {  	_ =	swait.ge [sflag:s24], $0x1  }
0x1b: {  	[sflag:s24] =	ssyncset.done $0x0  }
0x1c: {  	s26 =	simm.s32 $0x1B8E;
	s25 =	sld [smem:$0x3FFE];
	[sflag:s24] =	ssyncadd.s32 $0xFFFFFFFF  }
0x1d: {  	s27 =	simm.s32 $execute0_lowered;
	[smem:$0x3FD2] =	sst s26  }
0x1e: {  	s5 =	sshll.u32 s27, $0x1;
	_ =	strace $0x80000049;
	[dreg:$0x1] =	wrdreg $0xFFFFFFFF  }
0x1f: {  	s28 =	simm.s32 $_size_execute0_lowered;
	s3 =	sadd.s32 s3, s5;
	[dreg:$0x0] =	wrdreg $0x0  }
0x20: {  	s5 =	sshll.u32 s28, $0x1;
	[dreg:$0x2] =	wrdreg s3  }
0x21: {  	[dreg:$0x3] =	wrdreg s5  }
0x22: {  	[dreg:$0x4] =	wrdreg $0xC0  }
0x23: {  	_ =	task [dreg:s7], $0x5FFFF  }
0x24: {  	[dreg:$0x1] =	wrdreg $0xFFFFFFFF  }
0x25: {  	[dreg:$0x0] =	wrdreg $0x60  }
0x26: {  	[dreg:$0x2] =	wrdreg s25  }
0x27: {  	[dreg:$0x3] =	wrdreg s2  }
0x28: {  	[dreg:$0x4] =	wrdreg $0x9  }
0x29: {  	_ =	task.clear_ibuf [dreg:s7], $0x5FFFF;
	_ =	strace $0x90000049  }
0x2a: {  	s29 =	simm.s32 $0x9;
	_ =	strace $0x8000004B  }
0x2b: {  	_ =	swait.ge [sflag:s29], $0x1  }
0x2c: {  	[sflag:s29] =	ssyncadd.s32 $0xFFFFFFFF  }
0x2d: {  	_ =	strace $0x9000004B  }
0x2e: {  	_ =	sfence  }
0x2f: {  	s30 =	sld [smem:$0x0];
	_ =	sdelay $0x2  }
0x30: {  	s31 =	sshll.u32 s1, $0xD;
	s1 =	sshrl.u32 s1, $0x2  }
0x31: {  	s3 =	sand.u32 $0x4000, s31;
	s1 =	sadd.s32 s1, s30  }
0x32: {  	s0 =	sor.u32 s3, s0;
	s1 =	sshll.u32 s1, $0x11  }
0x33: {  	s0 =	sor.u32 s1, s0  }
0x34: {  	s0 =	sadd.s32 $0x8F2B, s0  }
0x35: {  	[sflag:s0] =	ssyncadd.remote.s32 $0x1  }
0x36: {  	_ =	sfence.sel $0xFFFF  }
0x37: {  	[dreg:$0x0] =	wrdreg $0xFFFFFFFF;
	(pc) =	sbr.abs _section_cstart, $3  }
0x38: {  	[dreg:$0x1] =	wrdreg $0xFFFFFFFF  }
0x39: {  	_ =	task.clear_ibuf [dreg:s7], $0x2FFFF;
	_ =	strace $0x9FFFFFFF  }
0x3a: {  	(tm) =	ssettm $0x7FFFFFFF  }
0x3b: {  	_ =	shalt  }
tec
execute0_lowered:
.L_overlay_start_1:
0x0: {  	(tag) =	ssettag $0x1  }
0x1: {  	s0 =	srdreg.scid  }
0x2: {  	s1 =	sshll.u32 s0, $0x4  }
0x3: {  	s0 =	stileid.u32;
	s1 =	sand.u32 $0x10, s1  }
0x4: {  	s1 =	sor.u32 s0, s1  }
0x5: {  	s6 =	rddreg [dreg:$0x0];
	s4 =	simm.s32 $0x1;
	s2 =	sshll.u32 s1, $0x7  }
0x6: {  	s7 =	simm.s32 $0x2;
	s12 =	simm.s32 $0x0;
	s1 =	ssub.s32 $0x1000, s2  }
0x7: {  	s8 =	simm.s32 $0x8000;
	s13 =	simm.s32 $0x0;
	s3 =	sand.u32 $0xF80, s1  }
0x8: {  	s9 =	simm.s32 $0x0;
	s5 =	sshrl.u32 s1, $0xC;
	p0 =	sne.s32 s3, $0x0  }
.Ltmp0:
0x9: {  	s1 =	rddreg [dreg:$0x2];
	s4 =	simm.s32 @!p0 $0x0;
	(pc) =	sbr.rel .LBB1_1-.Ltmp0, $4  }
0xa: {  	s11 =	simm.s32 $0x0;
	s3 =	rddreg [dreg:$0x1];
	s5 =	sadd.s32 s4, s5  }
0xb: {  	_ =	strace $0x8000004A;
	s4 =	simm.s32 $0x1;
	s5 =	smul.u32 $0xC8, s5  }
0xc: {  	s6 =	sadd.s32 $0xA00, s6;
	s10 =	smov.u32 s2;
	[sflag:s4] =	ssyncpa.u1 $0x0  }
0xd: {  	p0 =	por $0x0, $0x0;
	[sflag:s7] =	ssyncpa.u1 $0x0;
	s7 =	sor.u32 $0x1, s5  }
.LBB1_4:
0xe: {  	s16 =	sshll.u32 s13, $0x3;
	s17 =	sand.u32 $0x78, s13  }
0xf: {  	s30 =	sand.u32 $0x7E00, s13;
	s12 =	sshll.u32 s12, $0xF;
	s16 =	sand.u32 $0xC00, s16  }
0x10: {  	[tilespmem:s15+$0x810 ss:$0x81] =	vst.msk $0xffff, v2;
	s31 =	sand.u32 $0x7, s13;
	s16 =	sor.u32 s17, s16;
	s17 =	sadd.s32 s3, s30  }
0x11: {  	[tilespmem:s15+$0x1020 ss:$0x81] =	vst.msk $0xffff, v0;
	s13 =	sshll.u32 s31, $0x12;
	s12 =	sadd.s32 s12, s17;
	s16 =	sshrl.u32 s16, $0x3  }
0x12: {  	[tilespmem:s15+$0x0 ss:$0x81] =	vst.msk $0xffff, v1;
	s13 =	sor.u32 $0x400, s13;
	s12 =	sadd.s32 s16, s12  }
0x13: {  	[hbm4b:s12+s13] =	stream.strided.scatter [tilespmem:s14], [sflag:$0x2], $0x2000, s8, s13, $0x20;
	[tilespmem:$0x8080] =	vst v63  }
.LBB1_5:
0x14: {  	s14 =	sadd.s32 $0x1, s9  }
0x15: {  	s12 =	sadd.s32 $0x1000, s10;
	s16 =	smov.u32 s10;
	p2 =	sgt.s32 s14, $0xC7  }
0x16: {  	s16 =	smov.u32 @p2 s12  }
0x17: {  	s14 =	simm.s32 @p2 $0x0;
	p2 =	sgt.s32 s16, $0xFFF  }
0x18: {  	s16 =	smov.u32 @p2 s2;
	p2 =	sne.s32 s11, s7  }
.Ltmp1:
0x19: {  	p1 =	slt.u32 s11, $0x2;
	(pc) =	sbr.rel @!p2 .LBB1_6-.Ltmp1, $4  }
0x1a: {  	s15 =	simm.s32 @!p1 $0x2  }
0x1b: {  	s13 =	smov.u32 s10;
	p0 =	por !p0, !p0;
	_ =	swait.ge @!p1 [sflag:s15], $0x2000  }
0x1c: {  	s12 =	smov.u32 s9;
	[sflag:s15] =	ssyncset.done @!p1 $0x0;
	s9 =	smov.u32 s14  }
0x1d: {  	s11 =	sadd.s32 $0x1, s11;
	[sflag:s15] =	ssyncadd.s32 @!p1 $0xFFFFE000;
	s10 =	smov.u32 s16  }
.LBB1_1:
0x1e: {  	p1 =	sge.u32 s11, s5  }
0x1f: {  	s14 =	sand.u32 @!p1 $0x1FFFFFF, s9  }
0x20: {  	s15 =	smulhi.u32 @!p1 $0x147AE15, s14;
	_ =	sdelay $0x1  }
0x21: {  	s15 =	smul.u32 @!p1 $0xC8, s15  }
0x22: {  	s16 =	sxor.u32 @!p1 $0xFFFFFFFF, s11;
	s17 =	smul.u32 @!p1 $0xC80, s10  }
0x23: {  	s31 =	sadd.s32 $0xFFFFFFFF, s11;
	s16 =	sshll.u32 @!p1 s16, $0xD;
	s14 =	ssub.s32 @!p1 s14, s15  }
0x24: {  	s15 =	sand.u32 @!p1 $0x2000, s16;
	s16 =	sadd.s32 @!p1 s6, s17;
	s14 =	sshll.u32 @!p1 s14, $0x4  }
0x25: {  	s17 =	simm.s32 @!p1 $0x6400;
	s14 =	sadd.s32 @!p1 s14, s16;
	s16 =	simm.s32 @!p1 $0x40  }
0x26: {  	[tilespmem:s15], [sflag:$0x1] =	stream.strided.gather @!p1 [hbm4b:s14+s16], $0x2000, s17, s16, $0x38;
	[tilespmem:$0x8080] =	vst v63  }
0x27: {  	p1 =	sge.u32 s31, s5  }
.Ltmp2:
0x28: {  	_ = 	snop;
	(pc) =	sbr.rel @p1 .LBB1_5-.Ltmp2, $1  }
0x29: {  	_ =	sdelay $0x3  }
0x2a: {  	s14 =	simm.s32 $0x1  }
0x2b: {  	_ =	swait.ge [sflag:s4], $0x2000;
	s14 =	simm.s32 @!p0 $0x0  }
0x2c: {  	[sflag:s4] =	ssyncset.done $0x0;
	s15 =	sshll.u32 s14, $0xD  }
0x2d: {  	[sflag:s4] =	ssyncadd.s32 $0xFFFFE000;
	s18 =	sor.u32 $0x20, s15  }
0x2e: {  	s14 =	smul.u32 $0x8100, s14;
	v3 =	vld [tilespmem:s18+$0x10]  }
0x2f: {  	s30 =	sand.u32 $0x1, s11;
	v2 =	vld [tilespmem:s18+$0xFFFFFFF0]  }
0x30: {  	s15 =	smul.u32 $0x8100, s30;
	s14 =	sshrl.u32 s14, $0x2;
	v0 =	vld [tilespmem:s18+$0x0]  }
0x31: {  	v1 =	vld [tilespmem:s18+$0xFFFFFFE0];
	s16 =	sor.u32 $0x4000, s14  }
0x32: {  	s31 =	sshrl.u32 s15, $0x2;
	s15 =	sadd.s32 $0x0, s16  }
0x33: {  	s17 =	simm.s32 $0x4;
	s18 =	sadd.s32 $0x40, s18;
	s14 =	sor.u32 $0x4000, s31;
	[tilespmem:s15+$0x1830 ss:$0x81] =	vst.msk $0xffff, v3  }
.LBB1_3:
0x34: {  	v3 =	vld [tilespmem:s18+$0x10];
	p1 =	sne.s32 s17, $0x1FC;
	[tilespmem:s15+$0x810 ss:$0x81] =	vst.msk $0xffff, v2;
	s19 =	smov.u32 s17;
	s17 =	sadd.s32 $0x4, s17  }
.Ltmp3:
0x35: {  	v2 =	vld [tilespmem:s18+$0xFFFFFFF0];
	[tilespmem:s15+$0x1020 ss:$0x81] =	vst.msk $0xffff, v0;
	(pc) =	sbr.rel @p1 .LBB1_3-.Ltmp3, $4  }
0x36: {  	v0 =	vld [tilespmem:s18+$0x0];
	[tilespmem:s15+$0x0 ss:$0x81] =	vst.msk $0xffff, v1  }
0x37: {  	s15 =	sshra.s32 s19, $0x2;
	v1 =	vld [tilespmem:s18+$0xFFFFFFE0]  }
0x38: {  	s15 =	sadd.s32 s15, s16  }
0x39: {  	s18 =	sadd.s32 $0x40, s18;
	[tilespmem:s15+$0x1830 ss:$0x81] =	vst.msk $0xffff, v3  }
.Ltmp4:
0x3a: {  	_ = 	snop;
	(pc) =	sbr.rel .LBB1_4-.Ltmp4, $1  }
0x3b: {  	_ =	sdelay $0x3  }
.LBB1_6:
0x3c: {  	_ =	sfence.sel $0x180000  }
0x3d: {  	s2 =	simm.s32 $0x1;
	[bflag:$0x0] =	sbarrier.arrive $0xFFFF  }
0x3e: {  	s31 =	simm.s32 $0x2;
	[sflag:s2] =	ssyncpa.u1 $0x1  }
0x3f: {  	[sflag:s31] =	ssyncpa.u1 $0x1  }
0x40: {  	p0 =	sne.s32 s0, $0x0;
	_ =	strace $0x9000004A  }
0x41: {  	s0 =	sadd.s32 @!p0 $0x100000, s1;
	[bflag:$0x2] =	sbarrier.arrive $0xFFFF  }
0x42: {  	[sflag:s0] =	ssyncadd.tile.s32 @!p0 $0x1;
	_ =	shalt  }
.Lfunc_end1:
_tile_overlayer_lowered:
.L_overlay_start_2:
0x43: {  	(tag) =	ssettag $0x2  }
0x44: {  	s0 =	rddreg [dreg:$0x0];
	s2 =	stileid.u32  }
0x45: {  	s1 =	rddreg [dreg:$0x1];
	p0 =	sne.s32 s2, $0x0  }
0x46: {  	s3 =	rddreg [dreg:$0x2];
	[bflag:$0x3] =	sbarrier.arrive $0xFFFF;
	s2 =	simm.s32 @!p0 $0x1C01  }
0x47: {  	[timem:s3], [sflag:s2] =	dma.local @!p0 [hbm:s0], s1  }
0x48: {  	s0 =	simm.s32 @!p0 $0x1  }
0x49: {  	_ =	swait.ge @!p0 [sflag:s0], s1  }
0x4a: {  	s1 =	ssub.s32 @!p0 $0x0, s1;
	[sflag:s0] =	ssyncset.done @!p0 $0x0  }
0x4b: {  	[sflag:s0] =	ssyncadd.s32 @!p0 s1  }
0x4c: {  	[bflag:$0x3] =	sbarrier.arrive $0xFFFF  }
0x4d: {  	_ =	shalt  }

</sc_bundles>
